<compile_context>
chip_gen: v7x
topology: tpu7x:2x2x1
jax: 0.10.2.dev20260603
libtpu: 0.0.44.dev20260713+nightly
codegen_flags: <defaults>
</compile_context>

<pallas_src>
import functools

import jax
import jax.numpy as jnp
from jax import lax
from jax.experimental import pallas as pl
from jax.experimental.pallas import tpu as pltpu
from jax.experimental.pallas import tpu_sc as plsc

B = 16384
D_OUT = 96
COLS = (0, 32, 48, 64, 80)
DIMS = (32, 16, 16, 16, 16)

_info = plsc.get_sparse_core_info()
NC, NS = _info.num_cores, _info.num_subcores
NW = NC * NS
BPW = B // NW
CH = 64
NCH = BPW // CH

_mesh = plsc.VectorSubcoreMesh(core_axis_name="c", subcore_axis_name="s")


@functools.partial(
    pl.kernel,
    mesh=_mesh,
    out_type=jax.ShapeDtypeStruct((B, D_OUT), jnp.float32),
    scratch_types=[
        pltpu.VMEM((BPW,), jnp.int32),
        pltpu.VMEM((BPW,), jnp.int32),
        pltpu.VMEM((BPW,), jnp.int32),
        pltpu.VMEM((BPW,), jnp.int32),
        pltpu.VMEM((BPW,), jnp.int32),
        pltpu.VMEM((BPW, 32), jnp.float32),
        pltpu.VMEM((BPW, 16), jnp.float32),
        pltpu.VMEM((BPW, 16), jnp.float32),
        pltpu.VMEM((BPW, 16), jnp.float32),
        pltpu.VMEM((BPW, 16), jnp.float32),
        pltpu.VMEM((24, 16), jnp.float32),
        pltpu.VMEM((7, 16), jnp.float32),
        pltpu.SemaphoreType.DMA,
        pltpu.SemaphoreType.DMA,
    ],
    compiler_params=pltpu.CompilerParams(
        use_tc_tiling_on_sc=False, needs_layout_passes=False),
)
def _gather_concat(acc_i, area_i, hour_i, wk_i, geo_i,
                   acc_t, area_t, hour_t, wk_t, geo_t,
                   out,
                   ix0, ix1, ix2, ix3, ix4,
                   acc_v, area_v, hour_v, wk_v, geo_v,
                   tabh, tabw, sem, wsem):
    wid = lax.axis_index("s") * NC + lax.axis_index("c")
    base = wid * BPW

    idx_refs = (acc_i, area_i, hour_i, wk_i, geo_i)
    ivs = (ix0, ix1, ix2, ix3, ix4)
    for f in range(5):
        pltpu.sync_copy(idx_refs[f].at[pl.ds(base, BPW)], ivs[f])
    pltpu.sync_copy(hour_t, tabh)
    pltpu.sync_copy(wk_t, tabw)

    copies = []
    for iv, tab, buf in ((ix0, acc_t, acc_v), (ix1, area_t, area_v),
                         (ix4, geo_t, geo_v)):
        for j in range(NCH):
            copies.append(
                pltpu.async_copy(tab.at[iv.at[pl.ds(j * CH, CH)]],
                                 buf.at[pl.ds(j * CH, CH)], sem))

    iota16 = lax.iota(jnp.int32, 16)

    def smallbody(g, _):
        rvec = iota16 + g * 16
        idsh = ix2[pl.ds(g * 16, 16)]
        idsw = ix3[pl.ds(g * 16, 16)]
        for d in range(16):
            dv = jnp.full((16,), d, jnp.int32)
            vh = plsc.load_gather(tabh, [idsh, dv])
            plsc.store_scatter(hour_v, [rvec, dv], vh)
            vw = plsc.load_gather(tabw, [idsw, dv])
            plsc.store_scatter(wk_v, [rvec, dv], vw)
        return 0

    lax.fori_loop(0, BPW // 16, smallbody, 0)

    for c in copies:
        c.wait()

    bufs = (acc_v, area_v, hour_v, wk_v, geo_v)
    wcopies = []
    for f in range(5):
        wcopies.append(
            pltpu.async_copy(
                bufs[f], out.at[pl.ds(base, BPW), pl.ds(COLS[f], DIMS[f])],
                wsem))
    for w in wcopies:
        w.wait()


def kernel(account_id, delivery_area_id, order_hour, order_weekday, geohash6,
           account_table, area_table, hour_table, weekday_table, geohash_table):
    return _gather_concat(
        account_id.astype(jnp.int32), delivery_area_id.astype(jnp.int32),
        order_hour.astype(jnp.int32), order_weekday.astype(jnp.int32),
        geohash6.astype(jnp.int32),
        account_table, area_table, hour_table, weekday_table, geohash_table)

# --- scband reference (transcript-rebuilt; emitter-appended) ---
"""Pipeline reference for scband-user-model-v3-8134668059046 (READ-ONLY COPY).

The authoritative reference and input builder live on the scoring server;
editing this copy changes nothing except your own understanding.
"""

import jax, jax.numpy as jnp
import numpy as np

B = 16384
ACCOUNT_VOCAB = 1000000  # StringLookup -> indices 1..V, 0 = OOV -> table rows V+1
AREA_VOCAB = 10000
GEOHASH_VOCAB = 100000
USER_EMB = 32
CHAIN_EMB = 32
HALF_EMB = CHAIN_EMB // 2  # area_embedding / geohash6_embedding dim
TIME_EMB = 16              # create_int_embedding_layer(embedding_size=16)


def setup_inputs(seed: int = 0) -> dict:
    key = jax.random.key(seed)
    ks = jax.random.split(key, 10)
    inp = {}
    # Pre-looked-up integer indices (StringLookup / IntegerLookup output).
    inp["account_id"] = jax.random.randint(ks[0], (B,), 0, ACCOUNT_VOCAB + 1, dtype=jnp.int32).astype(jnp.int64)
    inp["delivery_area_id"] = jax.random.randint(ks[1], (B,), 0, AREA_VOCAB + 1, dtype=jnp.int32).astype(jnp.int64)
    inp["order_hour"] = jax.random.randint(ks[2], (B,), 0, 24, dtype=jnp.int32).astype(jnp.int64)
    inp["order_weekday"] = jax.random.randint(ks[3], (B,), 0, 7, dtype=jnp.int32).astype(jnp.int64)
    inp["geohash6"] = jax.random.randint(ks[4], (B,), 0, GEOHASH_VOCAB + 1, dtype=jnp.int32).astype(jnp.int64)
    # Learned parameters (embedding tables).
    inp["account_table"] = jax.random.normal(ks[5], (ACCOUNT_VOCAB + 1, USER_EMB), dtype=jnp.float32) * 0.05
    inp["area_table"] = jax.random.normal(ks[6], (AREA_VOCAB + 1, HALF_EMB), dtype=jnp.float32) * 0.05
    inp["hour_table"] = jax.random.normal(ks[7], (24, TIME_EMB), dtype=jnp.float32) * 0.05
    inp["weekday_table"] = jax.random.normal(ks[8], (7, TIME_EMB), dtype=jnp.float32) * 0.05
    inp["geohash_table"] = jax.random.normal(ks[9], (GEOHASH_VOCAB + 1, HALF_EMB), dtype=jnp.float32) * 0.05
    return inp


def reference(account_id, delivery_area_id, order_hour, order_weekday, geohash6,
              account_table, area_table, hour_table, weekday_table, geohash_table):
    # UserModelV3.call: per-feature partial towers, concatenated along axis=1
    # in feat_to_partial_tower insertion order:
    #   account_id, delivery_area_id, order_hour, order_weekday, geohash6
    e_account = jnp.take(account_table, account_id, axis=0)          # [B, 32]
    e_area = jnp.take(area_table, delivery_area_id, axis=0)          # [B, 16]
    e_hour = jnp.take(hour_table, order_hour, axis=0)                # [B, 16]
    e_weekday = jnp.take(weekday_table, order_weekday, axis=0)       # [B, 16]
    e_geohash = jnp.take(geohash_table, geohash6, axis=0)            # [B, 16]
    out = jnp.concatenate([e_account, e_area, e_hour, e_weekday, e_geohash], axis=1)  # [B, 96]
    return out

if __name__ == "__main__":
    import jax
    _d = setup_inputs()
    print(jax.jit(kernel)(*tuple(_d.values())))

</pallas_src>

<mosaic_0001>
#map = affine_map<(d0, d1) -> (0)>
#map1 = affine_map<(d0, d1) -> (0, 0)>
module attributes {stable_mosaic.version = 14 : i64} {
  func.func @_gather_concat(%arg0: i32, %arg1: i32, %arg2: memref<16384xi32, #tpu.memory_space<hbm>>, %arg3: memref<16384xi32, #tpu.memory_space<hbm>>, %arg4: memref<16384xi32, #tpu.memory_space<hbm>>, %arg5: memref<16384xi32, #tpu.memory_space<hbm>>, %arg6: memref<16384xi32, #tpu.memory_space<hbm>>, %arg7: memref<1000001x32xf32, #tpu.memory_space<hbm>>, %arg8: memref<10001x16xf32, #tpu.memory_space<hbm>>, %arg9: memref<24x16xf32, #tpu.memory_space<hbm>>, %arg10: memref<7x16xf32, #tpu.memory_space<hbm>>, %arg11: memref<100001x16xf32, #tpu.memory_space<hbm>>, %arg12: memref<16384x96xf32, #tpu.memory_space<hbm>>, %arg13: memref<512xi32, #tpu.memory_space<vmem>>, %arg14: memref<512xi32, #tpu.memory_space<vmem>>, %arg15: memref<512xi32, #tpu.memory_space<vmem>>, %arg16: memref<512xi32, #tpu.memory_space<vmem>>, %arg17: memref<512xi32, #tpu.memory_space<vmem>>, %arg18: memref<512x32xf32, #tpu.memory_space<vmem>>, %arg19: memref<512x16xf32, #tpu.memory_space<vmem>>, %arg20: memref<512x16xf32, #tpu.memory_space<vmem>>, %arg21: memref<512x16xf32, #tpu.memory_space<vmem>>, %arg22: memref<512x16xf32, #tpu.memory_space<vmem>>, %arg23: memref<24x16xf32, #tpu.memory_space<vmem>>, %arg24: memref<7x16xf32, #tpu.memory_space<vmem>>, %arg25: memref<!tpu.dma_semaphore, #tpu.memory_space<semaphore_mem>>, %arg26: memref<!tpu.dma_semaphore, #tpu.memory_space<semaphore_mem>>) attributes {dimension_semantics = [#tpu.dimension_semantics<core_parallel>, #tpu.dimension_semantics<subcore_parallel>], iteration_bounds = array<i64: 2, 16>, scalar_prefetch = 0 : i64, scratch_operands = 14 : i64, tpu.core_type = #tpu.core_type<sc_vector_subcore>, window_params = [{transform_indices = #map}, {transform_indices = #map}, {transform_indices = #map}, {transform_indices = #map}, {transform_indices = #map}, {transform_indices = #map1}, {transform_indices = #map1}, {transform_indices = #map1}, {transform_indices = #map1}, {transform_indices = #map1}, {transform_indices = #map1}]} {
    %mul3A = arith.constant 2 : i32
    %mul3A_0 = arith.muli %arg1, %mul3A : i32
    %add3A = arith.addi %mul3A_0, %arg0 : i32
    %mul3A_1 = arith.constant 512 : i32
    %mul3A_2 = arith.muli %add3A, %mul3A_1 : i32
    "tpu.region"() ({
      %run_scoped3A = tpu.sem_alloc : memref<!tpu.dma_semaphore, #tpu.memory_space<semaphore_mem>>
      %dma_start3A_431 = tpu.memref_slice %arg2[%mul3A_2] : memref<16384xi32, #tpu.memory_space<hbm>> -> memref<512xi32, #tpu.memory_space<hbm>>
      %dma_start3A_432 = tpu.memref_slice %arg2[%mul3A_2] : memref<16384xi32, #tpu.memory_space<hbm>> -> memref<512xi32, #tpu.memory_space<hbm>>
      tpu.enqueue_dma source(%dma_start3A_432 : memref<512xi32, #tpu.memory_space<hbm>>) target(%arg13 : memref<512xi32, #tpu.memory_space<vmem>>) target_semaphore(%run_scoped3A : memref<!tpu.dma_semaphore, #tpu.memory_space<semaphore_mem>>)
      %dma_wait3A_433 = tpu.memref_slice %arg2[%mul3A_2] : memref<16384xi32, #tpu.memory_space<hbm>> -> memref<512xi32, #tpu.memory_space<hbm>>
      %dma_wait3A_434 = tpu.memref_slice %arg2[%mul3A_2] : memref<16384xi32, #tpu.memory_space<hbm>> -> memref<512xi32, #tpu.memory_space<hbm>>
      tpu.wait_dma2 semaphore(%run_scoped3A : memref<!tpu.dma_semaphore, #tpu.memory_space<semaphore_mem>>) src(%dma_wait3A_434 : memref<512xi32, #tpu.memory_space<hbm>>) dst(%arg13 : memref<512xi32, #tpu.memory_space<vmem>>)
      tpu.yield
    }) : () -> ()
    "tpu.region"() ({
      %run_scoped3A = tpu.sem_alloc : memref<!tpu.dma_semaphore, #tpu.memory_space<semaphore_mem>>
      %dma_start3A_431 = tpu.memref_slice %arg3[%mul3A_2] : memref<16384xi32, #tpu.memory_space<hbm>> -> memref<512xi32, #tpu.memory_space<hbm>>
      %dma_start3A_432 = tpu.memref_slice %arg3[%mul3A_2] : memref<16384xi32, #tpu.memory_space<hbm>> -> memref<512xi32, #tpu.memory_space<hbm>>
      tpu.enqueue_dma source(%dma_start3A_432 : memref<512xi32, #tpu.memory_space<hbm>>) target(%arg14 : memref<512xi32, #tpu.memory_space<vmem>>) target_semaphore(%run_scoped3A : memref<!tpu.dma_semaphore, #tpu.memory_space<semaphore_mem>>)
      %dma_wait3A_433 = tpu.memref_slice %arg3[%mul3A_2] : memref<16384xi32, #tpu.memory_space<hbm>> -> memref<512xi32, #tpu.memory_space<hbm>>
      %dma_wait3A_434 = tpu.memref_slice %arg3[%mul3A_2] : memref<16384xi32, #tpu.memory_space<hbm>> -> memref<512xi32, #tpu.memory_space<hbm>>
      tpu.wait_dma2 semaphore(%run_scoped3A : memref<!tpu.dma_semaphore, #tpu.memory_space<semaphore_mem>>) src(%dma_wait3A_434 : memref<512xi32, #tpu.memory_space<hbm>>) dst(%arg14 : memref<512xi32, #tpu.memory_space<vmem>>)
      tpu.yield
    }) : () -> ()
    "tpu.region"() ({
      %run_scoped3A = tpu.sem_alloc : memref<!tpu.dma_semaphore, #tpu.memory_space<semaphore_mem>>
      %dma_start3A_431 = tpu.memref_slice %arg4[%mul3A_2] : memref<16384xi32, #tpu.memory_space<hbm>> -> memref<512xi32, #tpu.memory_space<hbm>>
      %dma_start3A_432 = tpu.memref_slice %arg4[%mul3A_2] : memref<16384xi32, #tpu.memory_space<hbm>> -> memref<512xi32, #tpu.memory_space<hbm>>
      tpu.enqueue_dma source(%dma_start3A_432 : memref<512xi32, #tpu.memory_space<hbm>>) target(%arg15 : memref<512xi32, #tpu.memory_space<vmem>>) target_semaphore(%run_scoped3A : memref<!tpu.dma_semaphore, #tpu.memory_space<semaphore_mem>>)
      %dma_wait3A_433 = tpu.memref_slice %arg4[%mul3A_2] : memref<16384xi32, #tpu.memory_space<hbm>> -> memref<512xi32, #tpu.memory_space<hbm>>
      %dma_wait3A_434 = tpu.memref_slice %arg4[%mul3A_2] : memref<16384xi32, #tpu.memory_space<hbm>> -> memref<512xi32, #tpu.memory_space<hbm>>
      tpu.wait_dma2 semaphore(%run_scoped3A : memref<!tpu.dma_semaphore, #tpu.memory_space<semaphore_mem>>) src(%dma_wait3A_434 : memref<512xi32, #tpu.memory_space<hbm>>) dst(%arg15 : memref<512xi32, #tpu.memory_space<vmem>>)
      tpu.yield
    }) : () -> ()
    "tpu.region"() ({
      %run_scoped3A = tpu.sem_alloc : memref<!tpu.dma_semaphore, #tpu.memory_space<semaphore_mem>>
      %dma_start3A_431 = tpu.memref_slice %arg5[%mul3A_2] : memref<16384xi32, #tpu.memory_space<hbm>> -> memref<512xi32, #tpu.memory_space<hbm>>
      %dma_start3A_432 = tpu.memref_slice %arg5[%mul3A_2] : memref<16384xi32, #tpu.memory_space<hbm>> -> memref<512xi32, #tpu.memory_space<hbm>>
      tpu.enqueue_dma source(%dma_start3A_432 : memref<512xi32, #tpu.memory_space<hbm>>) target(%arg16 : memref<512xi32, #tpu.memory_space<vmem>>) target_semaphore(%run_scoped3A : memref<!tpu.dma_semaphore, #tpu.memory_space<semaphore_mem>>)
      %dma_wait3A_433 = tpu.memref_slice %arg5[%mul3A_2] : memref<16384xi32, #tpu.memory_space<hbm>> -> memref<512xi32, #tpu.memory_space<hbm>>
      %dma_wait3A_434 = tpu.memref_slice %arg5[%mul3A_2] : memref<16384xi32, #tpu.memory_space<hbm>> -> memref<512xi32, #tpu.memory_space<hbm>>
      tpu.wait_dma2 semaphore(%run_scoped3A : memref<!tpu.dma_semaphore, #tpu.memory_space<semaphore_mem>>) src(%dma_wait3A_434 : memref<512xi32, #tpu.memory_space<hbm>>) dst(%arg16 : memref<512xi32, #tpu.memory_space<vmem>>)
      tpu.yield
    }) : () -> ()
    "tpu.region"() ({
      %run_scoped3A = tpu.sem_alloc : memref<!tpu.dma_semaphore, #tpu.memory_space<semaphore_mem>>
      %dma_start3A_431 = tpu.memref_slice %arg6[%mul3A_2] : memref<16384xi32, #tpu.memory_space<hbm>> -> memref<512xi32, #tpu.memory_space<hbm>>
      %dma_start3A_432 = tpu.memref_slice %arg6[%mul3A_2] : memref<16384xi32, #tpu.memory_space<hbm>> -> memref<512xi32, #tpu.memory_space<hbm>>
      tpu.enqueue_dma source(%dma_start3A_432 : memref<512xi32, #tpu.memory_space<hbm>>) target(%arg17 : memref<512xi32, #tpu.memory_space<vmem>>) target_semaphore(%run_scoped3A : memref<!tpu.dma_semaphore, #tpu.memory_space<semaphore_mem>>)
      %dma_wait3A_433 = tpu.memref_slice %arg6[%mul3A_2] : memref<16384xi32, #tpu.memory_space<hbm>> -> memref<512xi32, #tpu.memory_space<hbm>>
      %dma_wait3A_434 = tpu.memref_slice %arg6[%mul3A_2] : memref<16384xi32, #tpu.memory_space<hbm>> -> memref<512xi32, #tpu.memory_space<hbm>>
      tpu.wait_dma2 semaphore(%run_scoped3A : memref<!tpu.dma_semaphore, #tpu.memory_space<semaphore_mem>>) src(%dma_wait3A_434 : memref<512xi32, #tpu.memory_space<hbm>>) dst(%arg17 : memref<512xi32, #tpu.memory_space<vmem>>)
      tpu.yield
    }) : () -> ()
    "tpu.region"() ({
      %run_scoped3A = tpu.sem_alloc : memref<!tpu.dma_semaphore, #tpu.memory_space<semaphore_mem>>
      tpu.enqueue_dma source(%arg9 : memref<24x16xf32, #tpu.memory_space<hbm>>) target(%arg23 : memref<24x16xf32, #tpu.memory_space<vmem>>) target_semaphore(%run_scoped3A : memref<!tpu.dma_semaphore, #tpu.memory_space<semaphore_mem>>)
      tpu.wait_dma2 semaphore(%run_scoped3A : memref<!tpu.dma_semaphore, #tpu.memory_space<semaphore_mem>>) src(%arg9 : memref<24x16xf32, #tpu.memory_space<hbm>>) dst(%arg23 : memref<24x16xf32, #tpu.memory_space<vmem>>)
      tpu.yield
    }) : () -> ()
    "tpu.region"() ({
      %run_scoped3A = tpu.sem_alloc : memref<!tpu.dma_semaphore, #tpu.memory_space<semaphore_mem>>
      tpu.enqueue_dma source(%arg10 : memref<7x16xf32, #tpu.memory_space<hbm>>) target(%arg24 : memref<7x16xf32, #tpu.memory_space<vmem>>) target_semaphore(%run_scoped3A : memref<!tpu.dma_semaphore, #tpu.memory_space<semaphore_mem>>)
      tpu.wait_dma2 semaphore(%run_scoped3A : memref<!tpu.dma_semaphore, #tpu.memory_space<semaphore_mem>>) src(%arg10 : memref<7x16xf32, #tpu.memory_space<hbm>>) dst(%arg24 : memref<7x16xf32, #tpu.memory_space<vmem>>)
      tpu.yield
    }) : () -> ()
    %dma_start3A = arith.constant 0 : i32
    %dma_start3A_3 = arith.constant 0 : i32
    %dma_start3A_4 = tpu.memref_slice %arg18[%dma_start3A, %dma_start3A_3] : memref<512x32xf32, #tpu.memory_space<vmem>> -> memref<64x32xf32, #tpu.memory_space<vmem>>
    %dma_start3A_5 = arith.constant 0 : i32
    %dma_start3A_6 = tpu.memref_slice %arg13[%dma_start3A_5] : memref<512xi32, #tpu.memory_space<vmem>> -> memref<64xi32, #tpu.memory_space<vmem>>
    %dma_start3A_7 = arith.constant 0 : i32
    %dma_start3A_8 = arith.constant 0 : i32
    %dma_start3A_9 = tpu.memref_slice %arg7[%dma_start3A_7, %dma_start3A_8] : memref<1000001x32xf32, #tpu.memory_space<hbm>> -> memref<1000001x32xf32, #tpu.memory_space<hbm>>
    tpu.enqueue_indirect_dma source(%dma_start3A_9 : memref<1000001x32xf32, #tpu.memory_space<hbm>>) target(%dma_start3A_4 : memref<64x32xf32, #tpu.memory_space<vmem>>) offsets(%dma_start3A_6 : memref<64xi32, #tpu.memory_space<vmem>>) semaphore(%arg25 : memref<!tpu.dma_semaphore, #tpu.memory_space<semaphore_mem>>)
    %dma_start3A_10 = arith.constant 64 : i32
    %dma_start3A_11 = arith.constant 0 : i32
    %dma_start3A_12 = tpu.memref_slice %arg18[%dma_start3A_10, %dma_start3A_11] : memref<512x32xf32, #tpu.memory_space<vmem>> -> memref<64x32xf32, #tpu.memory_space<vmem>>
    %dma_start3A_13 = arith.constant 64 : i32
    %dma_start3A_14 = tpu.memref_slice %arg13[%dma_start3A_13] : memref<512xi32, #tpu.memory_space<vmem>> -> memref<64xi32, #tpu.memory_space<vmem>>
    %dma_start3A_15 = arith.constant 0 : i32
    %dma_start3A_16 = arith.constant 0 : i32
    %dma_start3A_17 = tpu.memref_slice %arg7[%dma_start3A_15, %dma_start3A_16] : memref<1000001x32xf32, #tpu.memory_space<hbm>> -> memref<1000001x32xf32, #tpu.memory_space<hbm>>
    tpu.enqueue_indirect_dma source(%dma_start3A_17 : memref<1000001x32xf32, #tpu.memory_space<hbm>>) target(%dma_start3A_12 : memref<64x32xf32, #tpu.memory_space<vmem>>) offsets(%dma_start3A_14 : memref<64xi32, #tpu.memory_space<vmem>>) semaphore(%arg25 : memref<!tpu.dma_semaphore, #tpu.memory_space<semaphore_mem>>)
    %dma_start3A_18 = arith.constant 128 : i32
    %dma_start3A_19 = arith.constant 0 : i32
    %dma_start3A_20 = tpu.memref_slice %arg18[%dma_start3A_18, %dma_start3A_19] : memref<512x32xf32, #tpu.memory_space<vmem>> -> memref<64x32xf32, #tpu.memory_space<vmem>>
    %dma_start3A_21 = arith.constant 128 : i32
    %dma_start3A_22 = tpu.memref_slice %arg13[%dma_start3A_21] : memref<512xi32, #tpu.memory_space<vmem>> -> memref<64xi32, #tpu.memory_space<vmem>>
    %dma_start3A_23 = arith.constant 0 : i32
    %dma_start3A_24 = arith.constant 0 : i32
    %dma_start3A_25 = tpu.memref_slice %arg7[%dma_start3A_23, %dma_start3A_24] : memref<1000001x32xf32, #tpu.memory_space<hbm>> -> memref<1000001x32xf32, #tpu.memory_space<hbm>>
    tpu.enqueue_indirect_dma source(%dma_start3A_25 : memref<1000001x32xf32, #tpu.memory_space<hbm>>) target(%dma_start3A_20 : memref<64x32xf32, #tpu.memory_space<vmem>>) offsets(%dma_start3A_22 : memref<64xi32, #tpu.memory_space<vmem>>) semaphore(%arg25 : memref<!tpu.dma_semaphore, #tpu.memory_space<semaphore_mem>>)
    %dma_start3A_26 = arith.constant 192 : i32
    %dma_start3A_27 = arith.constant 0 : i32
    %dma_start3A_28 = tpu.memref_slice %arg18[%dma_start3A_26, %dma_start3A_27] : memref<512x32xf32, #tpu.memory_space<vmem>> -> memref<64x32xf32, #tpu.memory_space<vmem>>
    %dma_start3A_29 = arith.constant 192 : i32
    %dma_start3A_30 = tpu.memref_slice %arg13[%dma_start3A_29] : memref<512xi32, #tpu.memory_space<vmem>> -> memref<64xi32, #tpu.memory_space<vmem>>
    %dma_start3A_31 = arith.constant 0 : i32
    %dma_start3A_32 = arith.constant 0 : i32
    %dma_start3A_33 = tpu.memref_slice %arg7[%dma_start3A_31, %dma_start3A_32] : memref<1000001x32xf32, #tpu.memory_space<hbm>> -> memref<1000001x32xf32, #tpu.memory_space<hbm>>
    tpu.enqueue_indirect_dma source(%dma_start3A_33 : memref<1000001x32xf32, #tpu.memory_space<hbm>>) target(%dma_start3A_28 : memref<64x32xf32, #tpu.memory_space<vmem>>) offsets(%dma_start3A_30 : memref<64xi32, #tpu.memory_space<vmem>>) semaphore(%arg25 : memref<!tpu.dma_semaphore, #tpu.memory_space<semaphore_mem>>)
    %dma_start3A_34 = arith.constant 256 : i32
    %dma_start3A_35 = arith.constant 0 : i32
    %dma_start3A_36 = tpu.memref_slice %arg18[%dma_start3A_34, %dma_start3A_35] : memref<512x32xf32, #tpu.memory_space<vmem>> -> memref<64x32xf32, #tpu.memory_space<vmem>>
    %dma_start3A_37 = arith.constant 256 : i32
    %dma_start3A_38 = tpu.memref_slice %arg13[%dma_start3A_37] : memref<512xi32, #tpu.memory_space<vmem>> -> memref<64xi32, #tpu.memory_space<vmem>>
    %dma_start3A_39 = arith.constant 0 : i32
    %dma_start3A_40 = arith.constant 0 : i32
    %dma_start3A_41 = tpu.memref_slice %arg7[%dma_start3A_39, %dma_start3A_40] : memref<1000001x32xf32, #tpu.memory_space<hbm>> -> memref<1000001x32xf32, #tpu.memory_space<hbm>>
    tpu.enqueue_indirect_dma source(%dma_start3A_41 : memref<1000001x32xf32, #tpu.memory_space<hbm>>) target(%dma_start3A_36 : memref<64x32xf32, #tpu.memory_space<vmem>>) offsets(%dma_start3A_38 : memref<64xi32, #tpu.memory_space<vmem>>) semaphore(%arg25 : memref<!tpu.dma_semaphore, #tpu.memory_space<semaphore_mem>>)
    %dma_start3A_42 = arith.constant 320 : i32
    %dma_start3A_43 = arith.constant 0 : i32
    %dma_start3A_44 = tpu.memref_slice %arg18[%dma_start3A_42, %dma_start3A_43] : memref<512x32xf32, #tpu.memory_space<vmem>> -> memref<64x32xf32, #tpu.memory_space<vmem>>
    %dma_start3A_45 = arith.constant 320 : i32
    %dma_start3A_46 = tpu.memref_slice %arg13[%dma_start3A_45] : memref<512xi32, #tpu.memory_space<vmem>> -> memref<64xi32, #tpu.memory_space<vmem>>
    %dma_start3A_47 = arith.constant 0 : i32
    %dma_start3A_48 = arith.constant 0 : i32
    %dma_start3A_49 = tpu.memref_slice %arg7[%dma_start3A_47, %dma_start3A_48] : memref<1000001x32xf32, #tpu.memory_space<hbm>> -> memref<1000001x32xf32, #tpu.memory_space<hbm>>
    tpu.enqueue_indirect_dma source(%dma_start3A_49 : memref<1000001x32xf32, #tpu.memory_space<hbm>>) target(%dma_start3A_44 : memref<64x32xf32, #tpu.memory_space<vmem>>) offsets(%dma_start3A_46 : memref<64xi32, #tpu.memory_space<vmem>>) semaphore(%arg25 : memref<!tpu.dma_semaphore, #tpu.memory_space<semaphore_mem>>)
    %dma_start3A_50 = arith.constant 384 : i32
    %dma_start3A_51 = arith.constant 0 : i32
    %dma_start3A_52 = tpu.memref_slice %arg18[%dma_start3A_50, %dma_start3A_51] : memref<512x32xf32, #tpu.memory_space<vmem>> -> memref<64x32xf32, #tpu.memory_space<vmem>>
    %dma_start3A_53 = arith.constant 384 : i32
    %dma_start3A_54 = tpu.memref_slice %arg13[%dma_start3A_53] : memref<512xi32, #tpu.memory_space<vmem>> -> memref<64xi32, #tpu.memory_space<vmem>>
    %dma_start3A_55 = arith.constant 0 : i32
    %dma_start3A_56 = arith.constant 0 : i32
    %dma_start3A_57 = tpu.memref_slice %arg7[%dma_start3A_55, %dma_start3A_56] : memref<1000001x32xf32, #tpu.memory_space<hbm>> -> memref<1000001x32xf32, #tpu.memory_space<hbm>>
    tpu.enqueue_indirect_dma source(%dma_start3A_57 : memref<1000001x32xf32, #tpu.memory_space<hbm>>) target(%dma_start3A_52 : memref<64x32xf32, #tpu.memory_space<vmem>>) offsets(%dma_start3A_54 : memref<64xi32, #tpu.memory_space<vmem>>) semaphore(%arg25 : memref<!tpu.dma_semaphore, #tpu.memory_space<semaphore_mem>>)
    %dma_start3A_58 = arith.constant 448 : i32
    %dma_start3A_59 = arith.constant 0 : i32
    %dma_start3A_60 = tpu.memref_slice %arg18[%dma_start3A_58, %dma_start3A_59] : memref<512x32xf32, #tpu.memory_space<vmem>> -> memref<64x32xf32, #tpu.memory_space<vmem>>
    %dma_start3A_61 = arith.constant 448 : i32
    %dma_start3A_62 = tpu.memref_slice %arg13[%dma_start3A_61] : memref<512xi32, #tpu.memory_space<vmem>> -> memref<64xi32, #tpu.memory_space<vmem>>
    %dma_start3A_63 = arith.constant 0 : i32
    %dma_start3A_64 = arith.constant 0 : i32
    %dma_start3A_65 = tpu.memref_slice %arg7[%dma_start3A_63, %dma_start3A_64] : memref<1000001x32xf32, #tpu.memory_space<hbm>> -> memref<1000001x32xf32, #tpu.memory_space<hbm>>
    tpu.enqueue_indirect_dma source(%dma_start3A_65 : memref<1000001x32xf32, #tpu.memory_space<hbm>>) target(%dma_start3A_60 : memref<64x32xf32, #tpu.memory_space<vmem>>) offsets(%dma_start3A_62 : memref<64xi32, #tpu.memory_space<vmem>>) semaphore(%arg25 : memref<!tpu.dma_semaphore, #tpu.memory_space<semaphore_mem>>)
    %dma_start3A_66 = arith.constant 0 : i32
    %dma_start3A_67 = arith.constant 0 : i32
    %dma_start3A_68 = tpu.memref_slice %arg19[%dma_start3A_66, %dma_start3A_67] : memref<512x16xf32, #tpu.memory_space<vmem>> -> memref<64x16xf32, #tpu.memory_space<vmem>>
    %dma_start3A_69 = arith.constant 0 : i32
    %dma_start3A_70 = tpu.memref_slice %arg14[%dma_start3A_69] : memref<512xi32, #tpu.memory_space<vmem>> -> memref<64xi32, #tpu.memory_space<vmem>>
    %dma_start3A_71 = arith.constant 0 : i32
    %dma_start3A_72 = arith.constant 0 : i32
    %dma_start3A_73 = tpu.memref_slice %arg8[%dma_start3A_71, %dma_start3A_72] : memref<10001x16xf32, #tpu.memory_space<hbm>> -> memref<10001x16xf32, #tpu.memory_space<hbm>>
    tpu.enqueue_indirect_dma source(%dma_start3A_73 : memref<10001x16xf32, #tpu.memory_space<hbm>>) target(%dma_start3A_68 : memref<64x16xf32, #tpu.memory_space<vmem>>) offsets(%dma_start3A_70 : memref<64xi32, #tpu.memory_space<vmem>>) semaphore(%arg25 : memref<!tpu.dma_semaphore, #tpu.memory_space<semaphore_mem>>)
    %dma_start3A_74 = arith.constant 64 : i32
    %dma_start3A_75 = arith.constant 0 : i32
    %dma_start3A_76 = tpu.memref_slice %arg19[%dma_start3A_74, %dma_start3A_75] : memref<512x16xf32, #tpu.memory_space<vmem>> -> memref<64x16xf32, #tpu.memory_space<vmem>>
    %dma_start3A_77 = arith.constant 64 : i32
    %dma_start3A_78 = tpu.memref_slice %arg14[%dma_start3A_77] : memref<512xi32, #tpu.memory_space<vmem>> -> memref<64xi32, #tpu.memory_space<vmem>>
    %dma_start3A_79 = arith.constant 0 : i32
    %dma_start3A_80 = arith.constant 0 : i32
    %dma_start3A_81 = tpu.memref_slice %arg8[%dma_start3A_79, %dma_start3A_80] : memref<10001x16xf32, #tpu.memory_space<hbm>> -> memref<10001x16xf32, #tpu.memory_space<hbm>>
    tpu.enqueue_indirect_dma source(%dma_start3A_81 : memref<10001x16xf32, #tpu.memory_space<hbm>>) target(%dma_start3A_76 : memref<64x16xf32, #tpu.memory_space<vmem>>) offsets(%dma_start3A_78 : memref<64xi32, #tpu.memory_space<vmem>>) semaphore(%arg25 : memref<!tpu.dma_semaphore, #tpu.memory_space<semaphore_mem>>)
    %dma_start3A_82 = arith.constant 128 : i32
    %dma_start3A_83 = arith.constant 0 : i32
    %dma_start3A_84 = tpu.memref_slice %arg19[%dma_start3A_82, %dma_start3A_83] : memref<512x16xf32, #tpu.memory_space<vmem>> -> memref<64x16xf32, #tpu.memory_space<vmem>>
    %dma_start3A_85 = arith.constant 128 : i32
    %dma_start3A_86 = tpu.memref_slice %arg14[%dma_start3A_85] : memref<512xi32, #tpu.memory_space<vmem>> -> memref<64xi32, #tpu.memory_space<vmem>>
    %dma_start3A_87 = arith.constant 0 : i32
    %dma_start3A_88 = arith.constant 0 : i32
    %dma_start3A_89 = tpu.memref_slice %arg8[%dma_start3A_87, %dma_start3A_88] : memref<10001x16xf32, #tpu.memory_space<hbm>> -> memref<10001x16xf32, #tpu.memory_space<hbm>>
    tpu.enqueue_indirect_dma source(%dma_start3A_89 : memref<10001x16xf32, #tpu.memory_space<hbm>>) target(%dma_start3A_84 : memref<64x16xf32, #tpu.memory_space<vmem>>) offsets(%dma_start3A_86 : memref<64xi32, #tpu.memory_space<vmem>>) semaphore(%arg25 : memref<!tpu.dma_semaphore, #tpu.memory_space<semaphore_mem>>)
    %dma_start3A_90 = arith.constant 192 : i32
    %dma_start3A_91 = arith.constant 0 : i32
    %dma_start3A_92 = tpu.memref_slice %arg19[%dma_start3A_90, %dma_start3A_91] : memref<512x16xf32, #tpu.memory_space<vmem>> -> memref<64x16xf32, #tpu.memory_space<vmem>>
    %dma_start3A_93 = arith.constant 192 : i32
    %dma_start3A_94 = tpu.memref_slice %arg14[%dma_start3A_93] : memref<512xi32, #tpu.memory_space<vmem>> -> memref<64xi32, #tpu.memory_space<vmem>>
    %dma_start3A_95 = arith.constant 0 : i32
    %dma_start3A_96 = arith.constant 0 : i32
    %dma_start3A_97 = tpu.memref_slice %arg8[%dma_start3A_95, %dma_start3A_96] : memref<10001x16xf32, #tpu.memory_space<hbm>> -> memref<10001x16xf32, #tpu.memory_space<hbm>>
    tpu.enqueue_indirect_dma source(%dma_start3A_97 : memref<10001x16xf32, #tpu.memory_space<hbm>>) target(%dma_start3A_92 : memref<64x16xf32, #tpu.memory_space<vmem>>) offsets(%dma_start3A_94 : memref<64xi32, #tpu.memory_space<vmem>>) semaphore(%arg25 : memref<!tpu.dma_semaphore, #tpu.memory_space<semaphore_mem>>)
    %dma_start3A_98 = arith.constant 256 : i32
    %dma_start3A_99 = arith.constant 0 : i32
    %dma_start3A_100 = tpu.memref_slice %arg19[%dma_start3A_98, %dma_start3A_99] : memref<512x16xf32, #tpu.memory_space<vmem>> -> memref<64x16xf32, #tpu.memory_space<vmem>>
    %dma_start3A_101 = arith.constant 256 : i32
    %dma_start3A_102 = tpu.memref_slice %arg14[%dma_start3A_101] : memref<512xi32, #tpu.memory_space<vmem>> -> memref<64xi32, #tpu.memory_space<vmem>>
    %dma_start3A_103 = arith.constant 0 : i32
    %dma_start3A_104 = arith.constant 0 : i32
    %dma_start3A_105 = tpu.memref_slice %arg8[%dma_start3A_103, %dma_start3A_104] : memref<10001x16xf32, #tpu.memory_space<hbm>> -> memref<10001x16xf32, #tpu.memory_space<hbm>>
    tpu.enqueue_indirect_dma source(%dma_start3A_105 : memref<10001x16xf32, #tpu.memory_space<hbm>>) target(%dma_start3A_100 : memref<64x16xf32, #tpu.memory_space<vmem>>) offsets(%dma_start3A_102 : memref<64xi32, #tpu.memory_space<vmem>>) semaphore(%arg25 : memref<!tpu.dma_semaphore, #tpu.memory_space<semaphore_mem>>)
    %dma_start3A_106 = arith.constant 320 : i32
    %dma_start3A_107 = arith.constant 0 : i32
    %dma_start3A_108 = tpu.memref_slice %arg19[%dma_start3A_106, %dma_start3A_107] : memref<512x16xf32, #tpu.memory_space<vmem>> -> memref<64x16xf32, #tpu.memory_space<vmem>>
    %dma_start3A_109 = arith.constant 320 : i32
    %dma_start3A_110 = tpu.memref_slice %arg14[%dma_start3A_109] : memref<512xi32, #tpu.memory_space<vmem>> -> memref<64xi32, #tpu.memory_space<vmem>>
    %dma_start3A_111 = arith.constant 0 : i32
    %dma_start3A_112 = arith.constant 0 : i32
    %dma_start3A_113 = tpu.memref_slice %arg8[%dma_start3A_111, %dma_start3A_112] : memref<10001x16xf32, #tpu.memory_space<hbm>> -> memref<10001x16xf32, #tpu.memory_space<hbm>>
    tpu.enqueue_indirect_dma source(%dma_start3A_113 : memref<10001x16xf32, #tpu.memory_space<hbm>>) target(%dma_start3A_108 : memref<64x16xf32, #tpu.memory_space<vmem>>) offsets(%dma_start3A_110 : memref<64xi32, #tpu.memory_space<vmem>>) semaphore(%arg25 : memref<!tpu.dma_semaphore, #tpu.memory_space<semaphore_mem>>)
    %dma_start3A_114 = arith.constant 384 : i32
    %dma_start3A_115 = arith.constant 0 : i32
    %dma_start3A_116 = tpu.memref_slice %arg19[%dma_start3A_114, %dma_start3A_115] : memref<512x16xf32, #tpu.memory_space<vmem>> -> memref<64x16xf32, #tpu.memory_space<vmem>>
    %dma_start3A_117 = arith.constant 384 : i32
    %dma_start3A_118 = tpu.memref_slice %arg14[%dma_start3A_117] : memref<512xi32, #tpu.memory_space<vmem>> -> memref<64xi32, #tpu.memory_space<vmem>>
    %dma_start3A_119 = arith.constant 0 : i32
    %dma_start3A_120 = arith.constant 0 : i32
    %dma_start3A_121 = tpu.memref_slice %arg8[%dma_start3A_119, %dma_start3A_120] : memref<10001x16xf32, #tpu.memory_space<hbm>> -> memref<10001x16xf32, #tpu.memory_space<hbm>>
    tpu.enqueue_indirect_dma source(%dma_start3A_121 : memref<10001x16xf32, #tpu.memory_space<hbm>>) target(%dma_start3A_116 : memref<64x16xf32, #tpu.memory_space<vmem>>) offsets(%dma_start3A_118 : memref<64xi32, #tpu.memory_space<vmem>>) semaphore(%arg25 : memref<!tpu.dma_semaphore, #tpu.memory_space<semaphore_mem>>)
    %dma_start3A_122 = arith.constant 448 : i32
    %dma_start3A_123 = arith.constant 0 : i32
    %dma_start3A_124 = tpu.memref_slice %arg19[%dma_start3A_122, %dma_start3A_123] : memref<512x16xf32, #tpu.memory_space<vmem>> -> memref<64x16xf32, #tpu.memory_space<vmem>>
    %dma_start3A_125 = arith.constant 448 : i32
    %dma_start3A_126 = tpu.memref_slice %arg14[%dma_start3A_125] : memref<512xi32, #tpu.memory_space<vmem>> -> memref<64xi32, #tpu.memory_space<vmem>>
    %dma_start3A_127 = arith.constant 0 : i32
    %dma_start3A_128 = arith.constant 0 : i32
    %dma_start3A_129 = tpu.memref_slice %arg8[%dma_start3A_127, %dma_start3A_128] : memref<10001x16xf32, #tpu.memory_space<hbm>> -> memref<10001x16xf32, #tpu.memory_space<hbm>>
    tpu.enqueue_indirect_dma source(%dma_start3A_129 : memref<10001x16xf32, #tpu.memory_space<hbm>>) target(%dma_start3A_124 : memref<64x16xf32, #tpu.memory_space<vmem>>) offsets(%dma_start3A_126 : memref<64xi32, #tpu.memory_space<vmem>>) semaphore(%arg25 : memref<!tpu.dma_semaphore, #tpu.memory_space<semaphore_mem>>)
    %dma_start3A_130 = arith.constant 0 : i32
    %dma_start3A_131 = arith.constant 0 : i32
    %dma_start3A_132 = tpu.memref_slice %arg22[%dma_start3A_130, %dma_start3A_131] : memref<512x16xf32, #tpu.memory_space<vmem>> -> memref<64x16xf32, #tpu.memory_space<vmem>>
    %dma_start3A_133 = arith.constant 0 : i32
    %dma_start3A_134 = tpu.memref_slice %arg17[%dma_start3A_133] : memref<512xi32, #tpu.memory_space<vmem>> -> memref<64xi32, #tpu.memory_space<vmem>>
    %dma_start3A_135 = arith.constant 0 : i32
    %dma_start3A_136 = arith.constant 0 : i32
    %dma_start3A_137 = tpu.memref_slice %arg11[%dma_start3A_135, %dma_start3A_136] : memref<100001x16xf32, #tpu.memory_space<hbm>> -> memref<100001x16xf32, #tpu.memory_space<hbm>>
    tpu.enqueue_indirect_dma source(%dma_start3A_137 : memref<100001x16xf32, #tpu.memory_space<hbm>>) target(%dma_start3A_132 : memref<64x16xf32, #tpu.memory_space<vmem>>) offsets(%dma_start3A_134 : memref<64xi32, #tpu.memory_space<vmem>>) semaphore(%arg25 : memref<!tpu.dma_semaphore, #tpu.memory_space<semaphore_mem>>)
    %dma_start3A_138 = arith.constant 64 : i32
    %dma_start3A_139 = arith.constant 0 : i32
    %dma_start3A_140 = tpu.memref_slice %arg22[%dma_start3A_138, %dma_start3A_139] : memref<512x16xf32, #tpu.memory_space<vmem>> -> memref<64x16xf32, #tpu.memory_space<vmem>>
    %dma_start3A_141 = arith.constant 64 : i32
    %dma_start3A_142 = tpu.memref_slice %arg17[%dma_start3A_141] : memref<512xi32, #tpu.memory_space<vmem>> -> memref<64xi32, #tpu.memory_space<vmem>>
    %dma_start3A_143 = arith.constant 0 : i32
    %dma_start3A_144 = arith.constant 0 : i32
    %dma_start3A_145 = tpu.memref_slice %arg11[%dma_start3A_143, %dma_start3A_144] : memref<100001x16xf32, #tpu.memory_space<hbm>> -> memref<100001x16xf32, #tpu.memory_space<hbm>>
    tpu.enqueue_indirect_dma source(%dma_start3A_145 : memref<100001x16xf32, #tpu.memory_space<hbm>>) target(%dma_start3A_140 : memref<64x16xf32, #tpu.memory_space<vmem>>) offsets(%dma_start3A_142 : memref<64xi32, #tpu.memory_space<vmem>>) semaphore(%arg25 : memref<!tpu.dma_semaphore, #tpu.memory_space<semaphore_mem>>)
    %dma_start3A_146 = arith.constant 128 : i32
    %dma_start3A_147 = arith.constant 0 : i32
    %dma_start3A_148 = tpu.memref_slice %arg22[%dma_start3A_146, %dma_start3A_147] : memref<512x16xf32, #tpu.memory_space<vmem>> -> memref<64x16xf32, #tpu.memory_space<vmem>>
    %dma_start3A_149 = arith.constant 128 : i32
    %dma_start3A_150 = tpu.memref_slice %arg17[%dma_start3A_149] : memref<512xi32, #tpu.memory_space<vmem>> -> memref<64xi32, #tpu.memory_space<vmem>>
    %dma_start3A_151 = arith.constant 0 : i32
    %dma_start3A_152 = arith.constant 0 : i32
    %dma_start3A_153 = tpu.memref_slice %arg11[%dma_start3A_151, %dma_start3A_152] : memref<100001x16xf32, #tpu.memory_space<hbm>> -> memref<100001x16xf32, #tpu.memory_space<hbm>>
    tpu.enqueue_indirect_dma source(%dma_start3A_153 : memref<100001x16xf32, #tpu.memory_space<hbm>>) target(%dma_start3A_148 : memref<64x16xf32, #tpu.memory_space<vmem>>) offsets(%dma_start3A_150 : memref<64xi32, #tpu.memory_space<vmem>>) semaphore(%arg25 : memref<!tpu.dma_semaphore, #tpu.memory_space<semaphore_mem>>)
    %dma_start3A_154 = arith.constant 192 : i32
    %dma_start3A_155 = arith.constant 0 : i32
    %dma_start3A_156 = tpu.memref_slice %arg22[%dma_start3A_154, %dma_start3A_155] : memref<512x16xf32, #tpu.memory_space<vmem>> -> memref<64x16xf32, #tpu.memory_space<vmem>>
    %dma_start3A_157 = arith.constant 192 : i32
    %dma_start3A_158 = tpu.memref_slice %arg17[%dma_start3A_157] : memref<512xi32, #tpu.memory_space<vmem>> -> memref<64xi32, #tpu.memory_space<vmem>>
    %dma_start3A_159 = arith.constant 0 : i32
    %dma_start3A_160 = arith.constant 0 : i32
    %dma_start3A_161 = tpu.memref_slice %arg11[%dma_start3A_159, %dma_start3A_160] : memref<100001x16xf32, #tpu.memory_space<hbm>> -> memref<100001x16xf32, #tpu.memory_space<hbm>>
    tpu.enqueue_indirect_dma source(%dma_start3A_161 : memref<100001x16xf32, #tpu.memory_space<hbm>>) target(%dma_start3A_156 : memref<64x16xf32, #tpu.memory_space<vmem>>) offsets(%dma_start3A_158 : memref<64xi32, #tpu.memory_space<vmem>>) semaphore(%arg25 : memref<!tpu.dma_semaphore, #tpu.memory_space<semaphore_mem>>)
    %dma_start3A_162 = arith.constant 256 : i32
    %dma_start3A_163 = arith.constant 0 : i32
    %dma_start3A_164 = tpu.memref_slice %arg22[%dma_start3A_162, %dma_start3A_163] : memref<512x16xf32, #tpu.memory_space<vmem>> -> memref<64x16xf32, #tpu.memory_space<vmem>>
    %dma_start3A_165 = arith.constant 256 : i32
    %dma_start3A_166 = tpu.memref_slice %arg17[%dma_start3A_165] : memref<512xi32, #tpu.memory_space<vmem>> -> memref<64xi32, #tpu.memory_space<vmem>>
    %dma_start3A_167 = arith.constant 0 : i32
    %dma_start3A_168 = arith.constant 0 : i32
    %dma_start3A_169 = tpu.memref_slice %arg11[%dma_start3A_167, %dma_start3A_168] : memref<100001x16xf32, #tpu.memory_space<hbm>> -> memref<100001x16xf32, #tpu.memory_space<hbm>>
    tpu.enqueue_indirect_dma source(%dma_start3A_169 : memref<100001x16xf32, #tpu.memory_space<hbm>>) target(%dma_start3A_164 : memref<64x16xf32, #tpu.memory_space<vmem>>) offsets(%dma_start3A_166 : memref<64xi32, #tpu.memory_space<vmem>>) semaphore(%arg25 : memref<!tpu.dma_semaphore, #tpu.memory_space<semaphore_mem>>)
    %dma_start3A_170 = arith.constant 320 : i32
    %dma_start3A_171 = arith.constant 0 : i32
    %dma_start3A_172 = tpu.memref_slice %arg22[%dma_start3A_170, %dma_start3A_171] : memref<512x16xf32, #tpu.memory_space<vmem>> -> memref<64x16xf32, #tpu.memory_space<vmem>>
    %dma_start3A_173 = arith.constant 320 : i32
    %dma_start3A_174 = tpu.memref_slice %arg17[%dma_start3A_173] : memref<512xi32, #tpu.memory_space<vmem>> -> memref<64xi32, #tpu.memory_space<vmem>>
    %dma_start3A_175 = arith.constant 0 : i32
    %dma_start3A_176 = arith.constant 0 : i32
    %dma_start3A_177 = tpu.memref_slice %arg11[%dma_start3A_175, %dma_start3A_176] : memref<100001x16xf32, #tpu.memory_space<hbm>> -> memref<100001x16xf32, #tpu.memory_space<hbm>>
    tpu.enqueue_indirect_dma source(%dma_start3A_177 : memref<100001x16xf32, #tpu.memory_space<hbm>>) target(%dma_start3A_172 : memref<64x16xf32, #tpu.memory_space<vmem>>) offsets(%dma_start3A_174 : memref<64xi32, #tpu.memory_space<vmem>>) semaphore(%arg25 : memref<!tpu.dma_semaphore, #tpu.memory_space<semaphore_mem>>)
    %dma_start3A_178 = arith.constant 384 : i32
    %dma_start3A_179 = arith.constant 0 : i32
    %dma_start3A_180 = tpu.memref_slice %arg22[%dma_start3A_178, %dma_start3A_179] : memref<512x16xf32, #tpu.memory_space<vmem>> -> memref<64x16xf32, #tpu.memory_space<vmem>>
    %dma_start3A_181 = arith.constant 384 : i32
    %dma_start3A_182 = tpu.memref_slice %arg17[%dma_start3A_181] : memref<512xi32, #tpu.memory_space<vmem>> -> memref<64xi32, #tpu.memory_space<vmem>>
    %dma_start3A_183 = arith.constant 0 : i32
    %dma_start3A_184 = arith.constant 0 : i32
    %dma_start3A_185 = tpu.memref_slice %arg11[%dma_start3A_183, %dma_start3A_184] : memref<100001x16xf32, #tpu.memory_space<hbm>> -> memref<100001x16xf32, #tpu.memory_space<hbm>>
    tpu.enqueue_indirect_dma source(%dma_start3A_185 : memref<100001x16xf32, #tpu.memory_space<hbm>>) target(%dma_start3A_180 : memref<64x16xf32, #tpu.memory_space<vmem>>) offsets(%dma_start3A_182 : memref<64xi32, #tpu.memory_space<vmem>>) semaphore(%arg25 : memref<!tpu.dma_semaphore, #tpu.memory_space<semaphore_mem>>)
    %dma_start3A_186 = arith.constant 448 : i32
    %dma_start3A_187 = arith.constant 0 : i32
    %dma_start3A_188 = tpu.memref_slice %arg22[%dma_start3A_186, %dma_start3A_187] : memref<512x16xf32, #tpu.memory_space<vmem>> -> memref<64x16xf32, #tpu.memory_space<vmem>>
    %dma_start3A_189 = arith.constant 448 : i32
    %dma_start3A_190 = tpu.memref_slice %arg17[%dma_start3A_189] : memref<512xi32, #tpu.memory_space<vmem>> -> memref<64xi32, #tpu.memory_space<vmem>>
    %dma_start3A_191 = arith.constant 0 : i32
    %dma_start3A_192 = arith.constant 0 : i32
    %dma_start3A_193 = tpu.memref_slice %arg11[%dma_start3A_191, %dma_start3A_192] : memref<100001x16xf32, #tpu.memory_space<hbm>> -> memref<100001x16xf32, #tpu.memory_space<hbm>>
    tpu.enqueue_indirect_dma source(%dma_start3A_193 : memref<100001x16xf32, #tpu.memory_space<hbm>>) target(%dma_start3A_188 : memref<64x16xf32, #tpu.memory_space<vmem>>) offsets(%dma_start3A_190 : memref<64xi32, #tpu.memory_space<vmem>>) semaphore(%arg25 : memref<!tpu.dma_semaphore, #tpu.memory_space<semaphore_mem>>)
    %iota3A = tpu.iota {dimensions = array<i32: 0>} : vector<16xi32>
    %scan3A = arith.constant 0 : i32
    %scan3A_194 = arith.constant 0 : i32
    %scan3A_195 = arith.constant 32 : i32
    %scan3A_196 = arith.addi %scan3A_194, %scan3A_195 : i32
    %scan3A_197 = arith.constant 1 : i32
    %scan3A_198 = scf.for %scan3A_431 = %scan3A_194 to %scan3A_196 step %scan3A_197 iter_args(%scan3A_432 = %scan3A) -> (i32)  : i32 {
      %mul3A_433 = arith.constant 16 : i32
      %mul3A_434 = arith.muli %scan3A_431, %mul3A_433 : i32
      %add3A_435 = vector.broadcast %mul3A_434 : i32 to vector<16xi32>
      %add3A_436 = arith.addi %iota3A, %add3A_435 : vector<16xi32>
      %mul3A_437 = arith.constant 16 : i32
      %mul3A_438 = arith.muli %scan3A_431, %mul3A_437 : i32
      %get3A = arith.index_cast %mul3A_438 : i32 to index
      %get3A_439 = tpu.vector_load %arg15[%get3A] {strides = array<i32>} : memref<512xi32, #tpu.memory_space<vmem>>, vector<16xi32>,
      %mul3A_440 = arith.constant 16 : i32
      %mul3A_441 = arith.muli %scan3A_431, %mul3A_440 : i32
      %get3A_442 = arith.index_cast %mul3A_441 : i32 to index
      %get3A_443 = tpu.vector_load %arg16[%get3A_442] {strides = array<i32>} : memref<512xi32, #tpu.memory_space<vmem>>, vector<16xi32>,
      %broadcast_in_dim3A = arith.constant 0 : i32
      %broadcast_in_dim3A_444 = vector.broadcast %broadcast_in_dim3A : i32 to vector<16xi32>
      %gather3A = tpu.vector_load_idx %arg23[%get3A_439, %broadcast_in_dim3A_444] : memref<24x16xf32, #tpu.memory_space<vmem>>[vector<16xi32>, vector<16xi32>], vector<16xf32>,
      tpu.vector_store_idx %arg20[%add3A_436, %broadcast_in_dim3A_444], %gather3A : memref<512x16xf32, #tpu.memory_space<vmem>>[vector<16xi32>, vector<16xi32>], vector<16xf32>,
      %gather3A_445 = tpu.vector_load_idx %arg24[%get3A_443, %broadcast_in_dim3A_444] : memref<7x16xf32, #tpu.memory_space<vmem>>[vector<16xi32>, vector<16xi32>], vector<16xf32>,
      tpu.vector_store_idx %arg21[%add3A_436, %broadcast_in_dim3A_444], %gather3A_445 : memref<512x16xf32, #tpu.memory_space<vmem>>[vector<16xi32>, vector<16xi32>], vector<16xf32>,
      %broadcast_in_dim3A_446 = arith.constant 1 : i32
      %broadcast_in_dim3A_447 = vector.broadcast %broadcast_in_dim3A_446 : i32 to vector<16xi32>
      %gather3A_448 = tpu.vector_load_idx %arg23[%get3A_439, %broadcast_in_dim3A_447] : memref<24x16xf32, #tpu.memory_space<vmem>>[vector<16xi32>, vector<16xi32>], vector<16xf32>,
      tpu.vector_store_idx %arg20[%add3A_436, %broadcast_in_dim3A_447], %gather3A_448 : memref<512x16xf32, #tpu.memory_space<vmem>>[vector<16xi32>, vector<16xi32>], vector<16xf32>,
      %gather3A_449 = tpu.vector_load_idx %arg24[%get3A_443, %broadcast_in_dim3A_447] : memref<7x16xf32, #tpu.memory_space<vmem>>[vector<16xi32>, vector<16xi32>], vector<16xf32>,
      tpu.vector_store_idx %arg21[%add3A_436, %broadcast_in_dim3A_447], %gather3A_449 : memref<512x16xf32, #tpu.memory_space<vmem>>[vector<16xi32>, vector<16xi32>], vector<16xf32>,
      %broadcast_in_dim3A_450 = arith.constant 2 : i32
      %broadcast_in_dim3A_451 = vector.broadcast %broadcast_in_dim3A_450 : i32 to vector<16xi32>
      %gather3A_452 = tpu.vector_load_idx %arg23[%get3A_439, %broadcast_in_dim3A_451] : memref<24x16xf32, #tpu.memory_space<vmem>>[vector<16xi32>, vector<16xi32>], vector<16xf32>,
      tpu.vector_store_idx %arg20[%add3A_436, %broadcast_in_dim3A_451], %gather3A_452 : memref<512x16xf32, #tpu.memory_space<vmem>>[vector<16xi32>, vector<16xi32>], vector<16xf32>,
      %gather3A_453 = tpu.vector_load_idx %arg24[%get3A_443, %broadcast_in_dim3A_451] : memref<7x16xf32, #tpu.memory_space<vmem>>[vector<16xi32>, vector<16xi32>], vector<16xf32>,
      tpu.vector_store_idx %arg21[%add3A_436, %broadcast_in_dim3A_451], %gather3A_453 : memref<512x16xf32, #tpu.memory_space<vmem>>[vector<16xi32>, vector<16xi32>], vector<16xf32>,
      %broadcast_in_dim3A_454 = arith.constant 3 : i32
      %broadcast_in_dim3A_455 = vector.broadcast %broadcast_in_dim3A_454 : i32 to vector<16xi32>
      %gather3A_456 = tpu.vector_load_idx %arg23[%get3A_439, %broadcast_in_dim3A_455] : memref<24x16xf32, #tpu.memory_space<vmem>>[vector<16xi32>, vector<16xi32>], vector<16xf32>,
      tpu.vector_store_idx %arg20[%add3A_436, %broadcast_in_dim3A_455], %gather3A_456 : memref<512x16xf32, #tpu.memory_space<vmem>>[vector<16xi32>, vector<16xi32>], vector<16xf32>,
      %gather3A_457 = tpu.vector_load_idx %arg24[%get3A_443, %broadcast_in_dim3A_455] : memref<7x16xf32, #tpu.memory_space<vmem>>[vector<16xi32>, vector<16xi32>], vector<16xf32>,
      tpu.vector_store_idx %arg21[%add3A_436, %broadcast_in_dim3A_455], %gather3A_457 : memref<512x16xf32, #tpu.memory_space<vmem>>[vector<16xi32>, vector<16xi32>], vector<16xf32>,
      %broadcast_in_dim3A_458 = arith.constant 4 : i32
      %broadcast_in_dim3A_459 = vector.broadcast %broadcast_in_dim3A_458 : i32 to vector<16xi32>
      %gather3A_460 = tpu.vector_load_idx %arg23[%get3A_439, %broadcast_in_dim3A_459] : memref<24x16xf32, #tpu.memory_space<vmem>>[vector<16xi32>, vector<16xi32>], vector<16xf32>,
      tpu.vector_store_idx %arg20[%add3A_436, %broadcast_in_dim3A_459], %gather3A_460 : memref<512x16xf32, #tpu.memory_space<vmem>>[vector<16xi32>, vector<16xi32>], vector<16xf32>,
      %gather3A_461 = tpu.vector_load_idx %arg24[%get3A_443, %broadcast_in_dim3A_459] : memref<7x16xf32, #tpu.memory_space<vmem>>[vector<16xi32>, vector<16xi32>], vector<16xf32>,
      tpu.vector_store_idx %arg21[%add3A_436, %broadcast_in_dim3A_459], %gather3A_461 : memref<512x16xf32, #tpu.memory_space<vmem>>[vector<16xi32>, vector<16xi32>], vector<16xf32>,
      %broadcast_in_dim3A_462 = arith.constant 5 : i32
      %broadcast_in_dim3A_463 = vector.broadcast %broadcast_in_dim3A_462 : i32 to vector<16xi32>
      %gather3A_464 = tpu.vector_load_idx %arg23[%get3A_439, %broadcast_in_dim3A_463] : memref<24x16xf32, #tpu.memory_space<vmem>>[vector<16xi32>, vector<16xi32>], vector<16xf32>,
      tpu.vector_store_idx %arg20[%add3A_436, %broadcast_in_dim3A_463], %gather3A_464 : memref<512x16xf32, #tpu.memory_space<vmem>>[vector<16xi32>, vector<16xi32>], vector<16xf32>,
      %gather3A_465 = tpu.vector_load_idx %arg24[%get3A_443, %broadcast_in_dim3A_463] : memref<7x16xf32, #tpu.memory_space<vmem>>[vector<16xi32>, vector<16xi32>], vector<16xf32>,
      tpu.vector_store_idx %arg21[%add3A_436, %broadcast_in_dim3A_463], %gather3A_465 : memref<512x16xf32, #tpu.memory_space<vmem>>[vector<16xi32>, vector<16xi32>], vector<16xf32>,
      %broadcast_in_dim3A_466 = arith.constant 6 : i32
      %broadcast_in_dim3A_467 = vector.broadcast %broadcast_in_dim3A_466 : i32 to vector<16xi32>
      %gather3A_468 = tpu.vector_load_idx %arg23[%get3A_439, %broadcast_in_dim3A_467] : memref<24x16xf32, #tpu.memory_space<vmem>>[vector<16xi32>, vector<16xi32>], vector<16xf32>,
      tpu.vector_store_idx %arg20[%add3A_436, %broadcast_in_dim3A_467], %gather3A_468 : memref<512x16xf32, #tpu.memory_space<vmem>>[vector<16xi32>, vector<16xi32>], vector<16xf32>,
      %gather3A_469 = tpu.vector_load_idx %arg24[%get3A_443, %broadcast_in_dim3A_467] : memref<7x16xf32, #tpu.memory_space<vmem>>[vector<16xi32>, vector<16xi32>], vector<16xf32>,
      tpu.vector_store_idx %arg21[%add3A_436, %broadcast_in_dim3A_467], %gather3A_469 : memref<512x16xf32, #tpu.memory_space<vmem>>[vector<16xi32>, vector<16xi32>], vector<16xf32>,
      %broadcast_in_dim3A_470 = arith.constant 7 : i32
      %broadcast_in_dim3A_471 = vector.broadcast %broadcast_in_dim3A_470 : i32 to vector<16xi32>
      %gather3A_472 = tpu.vector_load_idx %arg23[%get3A_439, %broadcast_in_dim3A_471] : memref<24x16xf32, #tpu.memory_space<vmem>>[vector<16xi32>, vector<16xi32>], vector<16xf32>,
      tpu.vector_store_idx %arg20[%add3A_436, %broadcast_in_dim3A_471], %gather3A_472 : memref<512x16xf32, #tpu.memory_space<vmem>>[vector<16xi32>, vector<16xi32>], vector<16xf32>,
      %gather3A_473 = tpu.vector_load_idx %arg24[%get3A_443, %broadcast_in_dim3A_471] : memref<7x16xf32, #tpu.memory_space<vmem>>[vector<16xi32>, vector<16xi32>], vector<16xf32>,
      tpu.vector_store_idx %arg21[%add3A_436, %broadcast_in_dim3A_471], %gather3A_473 : memref<512x16xf32, #tpu.memory_space<vmem>>[vector<16xi32>, vector<16xi32>], vector<16xf32>,
      %broadcast_in_dim3A_474 = arith.constant 8 : i32
      %broadcast_in_dim3A_475 = vector.broadcast %broadcast_in_dim3A_474 : i32 to vector<16xi32>
      %gather3A_476 = tpu.vector_load_idx %arg23[%get3A_439, %broadcast_in_dim3A_475] : memref<24x16xf32, #tpu.memory_space<vmem>>[vector<16xi32>, vector<16xi32>], vector<16xf32>,
      tpu.vector_store_idx %arg20[%add3A_436, %broadcast_in_dim3A_475], %gather3A_476 : memref<512x16xf32, #tpu.memory_space<vmem>>[vector<16xi32>, vector<16xi32>], vector<16xf32>,
      %gather3A_477 = tpu.vector_load_idx %arg24[%get3A_443, %broadcast_in_dim3A_475] : memref<7x16xf32, #tpu.memory_space<vmem>>[vector<16xi32>, vector<16xi32>], vector<16xf32>,
      tpu.vector_store_idx %arg21[%add3A_436, %broadcast_in_dim3A_475], %gather3A_477 : memref<512x16xf32, #tpu.memory_space<vmem>>[vector<16xi32>, vector<16xi32>], vector<16xf32>,
      %broadcast_in_dim3A_478 = arith.constant 9 : i32
      %broadcast_in_dim3A_479 = vector.broadcast %broadcast_in_dim3A_478 : i32 to vector<16xi32>
      %gather3A_480 = tpu.vector_load_idx %arg23[%get3A_439, %broadcast_in_dim3A_479] : memref<24x16xf32, #tpu.memory_space<vmem>>[vector<16xi32>, vector<16xi32>], vector<16xf32>,
      tpu.vector_store_idx %arg20[%add3A_436, %broadcast_in_dim3A_479], %gather3A_480 : memref<512x16xf32, #tpu.memory_space<vmem>>[vector<16xi32>, vector<16xi32>], vector<16xf32>,
      %gather3A_481 = tpu.vector_load_idx %arg24[%get3A_443, %broadcast_in_dim3A_479] : memref<7x16xf32, #tpu.memory_space<vmem>>[vector<16xi32>, vector<16xi32>], vector<16xf32>,
      tpu.vector_store_idx %arg21[%add3A_436, %broadcast_in_dim3A_479], %gather3A_481 : memref<512x16xf32, #tpu.memory_space<vmem>>[vector<16xi32>, vector<16xi32>], vector<16xf32>,
      %broadcast_in_dim3A_482 = arith.constant 10 : i32
      %broadcast_in_dim3A_483 = vector.broadcast %broadcast_in_dim3A_482 : i32 to vector<16xi32>
      %gather3A_484 = tpu.vector_load_idx %arg23[%get3A_439, %broadcast_in_dim3A_483] : memref<24x16xf32, #tpu.memory_space<vmem>>[vector<16xi32>, vector<16xi32>], vector<16xf32>,
      tpu.vector_store_idx %arg20[%add3A_436, %broadcast_in_dim3A_483], %gather3A_484 : memref<512x16xf32, #tpu.memory_space<vmem>>[vector<16xi32>, vector<16xi32>], vector<16xf32>,
      %gather3A_485 = tpu.vector_load_idx %arg24[%get3A_443, %broadcast_in_dim3A_483] : memref<7x16xf32, #tpu.memory_space<vmem>>[vector<16xi32>, vector<16xi32>], vector<16xf32>,
      tpu.vector_store_idx %arg21[%add3A_436, %broadcast_in_dim3A_483], %gather3A_485 : memref<512x16xf32, #tpu.memory_space<vmem>>[vector<16xi32>, vector<16xi32>], vector<16xf32>,
      %broadcast_in_dim3A_486 = arith.constant 11 : i32
      %broadcast_in_dim3A_487 = vector.broadcast %broadcast_in_dim3A_486 : i32 to vector<16xi32>
      %gather3A_488 = tpu.vector_load_idx %arg23[%get3A_439, %broadcast_in_dim3A_487] : memref<24x16xf32, #tpu.memory_space<vmem>>[vector<16xi32>, vector<16xi32>], vector<16xf32>,
      tpu.vector_store_idx %arg20[%add3A_436, %broadcast_in_dim3A_487], %gather3A_488 : memref<512x16xf32, #tpu.memory_space<vmem>>[vector<16xi32>, vector<16xi32>], vector<16xf32>,
      %gather3A_489 = tpu.vector_load_idx %arg24[%get3A_443, %broadcast_in_dim3A_487] : memref<7x16xf32, #tpu.memory_space<vmem>>[vector<16xi32>, vector<16xi32>], vector<16xf32>,
      tpu.vector_store_idx %arg21[%add3A_436, %broadcast_in_dim3A_487], %gather3A_489 : memref<512x16xf32, #tpu.memory_space<vmem>>[vector<16xi32>, vector<16xi32>], vector<16xf32>,
      %broadcast_in_dim3A_490 = arith.constant 12 : i32
      %broadcast_in_dim3A_491 = vector.broadcast %broadcast_in_dim3A_490 : i32 to vector<16xi32>
      %gather3A_492 = tpu.vector_load_idx %arg23[%get3A_439, %broadcast_in_dim3A_491] : memref<24x16xf32, #tpu.memory_space<vmem>>[vector<16xi32>, vector<16xi32>], vector<16xf32>,
      tpu.vector_store_idx %arg20[%add3A_436, %broadcast_in_dim3A_491], %gather3A_492 : memref<512x16xf32, #tpu.memory_space<vmem>>[vector<16xi32>, vector<16xi32>], vector<16xf32>,
      %gather3A_493 = tpu.vector_load_idx %arg24[%get3A_443, %broadcast_in_dim3A_491] : memref<7x16xf32, #tpu.memory_space<vmem>>[vector<16xi32>, vector<16xi32>], vector<16xf32>,
      tpu.vector_store_idx %arg21[%add3A_436, %broadcast_in_dim3A_491], %gather3A_493 : memref<512x16xf32, #tpu.memory_space<vmem>>[vector<16xi32>, vector<16xi32>], vector<16xf32>,
      %broadcast_in_dim3A_494 = arith.constant 13 : i32
      %broadcast_in_dim3A_495 = vector.broadcast %broadcast_in_dim3A_494 : i32 to vector<16xi32>
      %gather3A_496 = tpu.vector_load_idx %arg23[%get3A_439, %broadcast_in_dim3A_495] : memref<24x16xf32, #tpu.memory_space<vmem>>[vector<16xi32>, vector<16xi32>], vector<16xf32>,
      tpu.vector_store_idx %arg20[%add3A_436, %broadcast_in_dim3A_495], %gather3A_496 : memref<512x16xf32, #tpu.memory_space<vmem>>[vector<16xi32>, vector<16xi32>], vector<16xf32>,
      %gather3A_497 = tpu.vector_load_idx %arg24[%get3A_443, %broadcast_in_dim3A_495] : memref<7x16xf32, #tpu.memory_space<vmem>>[vector<16xi32>, vector<16xi32>], vector<16xf32>,
      tpu.vector_store_idx %arg21[%add3A_436, %broadcast_in_dim3A_495], %gather3A_497 : memref<512x16xf32, #tpu.memory_space<vmem>>[vector<16xi32>, vector<16xi32>], vector<16xf32>,
      %broadcast_in_dim3A_498 = arith.constant 14 : i32
      %broadcast_in_dim3A_499 = vector.broadcast %broadcast_in_dim3A_498 : i32 to vector<16xi32>
      %gather3A_500 = tpu.vector_load_idx %arg23[%get3A_439, %broadcast_in_dim3A_499] : memref<24x16xf32, #tpu.memory_space<vmem>>[vector<16xi32>, vector<16xi32>], vector<16xf32>,
      tpu.vector_store_idx %arg20[%add3A_436, %broadcast_in_dim3A_499], %gather3A_500 : memref<512x16xf32, #tpu.memory_space<vmem>>[vector<16xi32>, vector<16xi32>], vector<16xf32>,
      %gather3A_501 = tpu.vector_load_idx %arg24[%get3A_443, %broadcast_in_dim3A_499] : memref<7x16xf32, #tpu.memory_space<vmem>>[vector<16xi32>, vector<16xi32>], vector<16xf32>,
      tpu.vector_store_idx %arg21[%add3A_436, %broadcast_in_dim3A_499], %gather3A_501 : memref<512x16xf32, #tpu.memory_space<vmem>>[vector<16xi32>, vector<16xi32>], vector<16xf32>,
      %broadcast_in_dim3A_502 = arith.constant 15 : i32
      %broadcast_in_dim3A_503 = vector.broadcast %broadcast_in_dim3A_502 : i32 to vector<16xi32>
      %gather3A_504 = tpu.vector_load_idx %arg23[%get3A_439, %broadcast_in_dim3A_503] : memref<24x16xf32, #tpu.memory_space<vmem>>[vector<16xi32>, vector<16xi32>], vector<16xf32>,
      tpu.vector_store_idx %arg20[%add3A_436, %broadcast_in_dim3A_503], %gather3A_504 : memref<512x16xf32, #tpu.memory_space<vmem>>[vector<16xi32>, vector<16xi32>], vector<16xf32>,
      %gather3A_505 = tpu.vector_load_idx %arg24[%get3A_443, %broadcast_in_dim3A_503] : memref<7x16xf32, #tpu.memory_space<vmem>>[vector<16xi32>, vector<16xi32>], vector<16xf32>,
      tpu.vector_store_idx %arg21[%add3A_436, %broadcast_in_dim3A_503], %gather3A_505 : memref<512x16xf32, #tpu.memory_space<vmem>>[vector<16xi32>, vector<16xi32>], vector<16xf32>,
      %scan3A_506 = arith.constant 0 : i32
      scf.yield %scan3A_506 : i32
    }
    %scan3A_199 = arith.constant 32 : i32
    %dma_wait3A = arith.constant 0 : i32
    %dma_wait3A_200 = arith.constant 0 : i32
    %dma_wait3A_201 = tpu.memref_slice %arg18[%dma_wait3A, %dma_wait3A_200] : memref<512x32xf32, #tpu.memory_space<vmem>> -> memref<64x32xf32, #tpu.memory_space<vmem>>
    %dma_wait3A_202 = arith.constant 0 : i32
    %dma_wait3A_203 = tpu.memref_slice %arg13[%dma_wait3A_202] : memref<512xi32, #tpu.memory_space<vmem>> -> memref<64xi32, #tpu.memory_space<vmem>>
    %dma_wait3A_204 = arith.constant 0 : i32
    %dma_wait3A_205 = arith.constant 0 : i32
    %dma_wait3A_206 = tpu.memref_slice %arg7[%dma_wait3A_204, %dma_wait3A_205] : memref<1000001x32xf32, #tpu.memory_space<hbm>> -> memref<1000001x32xf32, #tpu.memory_space<hbm>>
    tpu.wait_indirect_dma semaphore(%arg25 : memref<!tpu.dma_semaphore, #tpu.memory_space<semaphore_mem>>) src(%dma_wait3A_206 : memref<1000001x32xf32, #tpu.memory_space<hbm>>) dst(%dma_wait3A_201 : memref<64x32xf32, #tpu.memory_space<vmem>>)
    %dma_wait3A_207 = arith.constant 64 : i32
    %dma_wait3A_208 = arith.constant 0 : i32
    %dma_wait3A_209 = tpu.memref_slice %arg18[%dma_wait3A_207, %dma_wait3A_208] : memref<512x32xf32, #tpu.memory_space<vmem>> -> memref<64x32xf32, #tpu.memory_space<vmem>>
    %dma_wait3A_210 = arith.constant 64 : i32
    %dma_wait3A_211 = tpu.memref_slice %arg13[%dma_wait3A_210] : memref<512xi32, #tpu.memory_space<vmem>> -> memref<64xi32, #tpu.memory_space<vmem>>
    %dma_wait3A_212 = arith.constant 0 : i32
    %dma_wait3A_213 = arith.constant 0 : i32
    %dma_wait3A_214 = tpu.memref_slice %arg7[%dma_wait3A_212, %dma_wait3A_213] : memref<1000001x32xf32, #tpu.memory_space<hbm>> -> memref<1000001x32xf32, #tpu.memory_space<hbm>>
    tpu.wait_indirect_dma semaphore(%arg25 : memref<!tpu.dma_semaphore, #tpu.memory_space<semaphore_mem>>) src(%dma_wait3A_214 : memref<1000001x32xf32, #tpu.memory_space<hbm>>) dst(%dma_wait3A_209 : memref<64x32xf32, #tpu.memory_space<vmem>>)
    %dma_wait3A_215 = arith.constant 128 : i32
    %dma_wait3A_216 = arith.constant 0 : i32
    %dma_wait3A_217 = tpu.memref_slice %arg18[%dma_wait3A_215, %dma_wait3A_216] : memref<512x32xf32, #tpu.memory_space<vmem>> -> memref<64x32xf32, #tpu.memory_space<vmem>>
    %dma_wait3A_218 = arith.constant 128 : i32
    %dma_wait3A_219 = tpu.memref_slice %arg13[%dma_wait3A_218] : memref<512xi32, #tpu.memory_space<vmem>> -> memref<64xi32, #tpu.memory_space<vmem>>
    %dma_wait3A_220 = arith.constant 0 : i32
    %dma_wait3A_221 = arith.constant 0 : i32
    %dma_wait3A_222 = tpu.memref_slice %arg7[%dma_wait3A_220, %dma_wait3A_221] : memref<1000001x32xf32, #tpu.memory_space<hbm>> -> memref<1000001x32xf32, #tpu.memory_space<hbm>>
    tpu.wait_indirect_dma semaphore(%arg25 : memref<!tpu.dma_semaphore, #tpu.memory_space<semaphore_mem>>) src(%dma_wait3A_222 : memref<1000001x32xf32, #tpu.memory_space<hbm>>) dst(%dma_wait3A_217 : memref<64x32xf32, #tpu.memory_space<vmem>>)
    %dma_wait3A_223 = arith.constant 192 : i32
    %dma_wait3A_224 = arith.constant 0 : i32
    %dma_wait3A_225 = tpu.memref_slice %arg18[%dma_wait3A_223, %dma_wait3A_224] : memref<512x32xf32, #tpu.memory_space<vmem>> -> memref<64x32xf32, #tpu.memory_space<vmem>>
    %dma_wait3A_226 = arith.constant 192 : i32
    %dma_wait3A_227 = tpu.memref_slice %arg13[%dma_wait3A_226] : memref<512xi32, #tpu.memory_space<vmem>> -> memref<64xi32, #tpu.memory_space<vmem>>
    %dma_wait3A_228 = arith.constant 0 : i32
    %dma_wait3A_229 = arith.constant 0 : i32
    %dma_wait3A_230 = tpu.memref_slice %arg7[%dma_wait3A_228, %dma_wait3A_229] : memref<1000001x32xf32, #tpu.memory_space<hbm>> -> memref<1000001x32xf32, #tpu.memory_space<hbm>>
    tpu.wait_indirect_dma semaphore(%arg25 : memref<!tpu.dma_semaphore, #tpu.memory_space<semaphore_mem>>) src(%dma_wait3A_230 : memref<1000001x32xf32, #tpu.memory_space<hbm>>) dst(%dma_wait3A_225 : memref<64x32xf32, #tpu.memory_space<vmem>>)
    %dma_wait3A_231 = arith.constant 256 : i32
    %dma_wait3A_232 = arith.constant 0 : i32
    %dma_wait3A_233 = tpu.memref_slice %arg18[%dma_wait3A_231, %dma_wait3A_232] : memref<512x32xf32, #tpu.memory_space<vmem>> -> memref<64x32xf32, #tpu.memory_space<vmem>>
    %dma_wait3A_234 = arith.constant 256 : i32
    %dma_wait3A_235 = tpu.memref_slice %arg13[%dma_wait3A_234] : memref<512xi32, #tpu.memory_space<vmem>> -> memref<64xi32, #tpu.memory_space<vmem>>
    %dma_wait3A_236 = arith.constant 0 : i32
    %dma_wait3A_237 = arith.constant 0 : i32
    %dma_wait3A_238 = tpu.memref_slice %arg7[%dma_wait3A_236, %dma_wait3A_237] : memref<1000001x32xf32, #tpu.memory_space<hbm>> -> memref<1000001x32xf32, #tpu.memory_space<hbm>>
    tpu.wait_indirect_dma semaphore(%arg25 : memref<!tpu.dma_semaphore, #tpu.memory_space<semaphore_mem>>) src(%dma_wait3A_238 : memref<1000001x32xf32, #tpu.memory_space<hbm>>) dst(%dma_wait3A_233 : memref<64x32xf32, #tpu.memory_space<vmem>>)
    %dma_wait3A_239 = arith.constant 320 : i32
    %dma_wait3A_240 = arith.constant 0 : i32
    %dma_wait3A_241 = tpu.memref_slice %arg18[%dma_wait3A_239, %dma_wait3A_240] : memref<512x32xf32, #tpu.memory_space<vmem>> -> memref<64x32xf32, #tpu.memory_space<vmem>>
    %dma_wait3A_242 = arith.constant 320 : i32
    %dma_wait3A_243 = tpu.memref_slice %arg13[%dma_wait3A_242] : memref<512xi32, #tpu.memory_space<vmem>> -> memref<64xi32, #tpu.memory_space<vmem>>
    %dma_wait3A_244 = arith.constant 0 : i32
    %dma_wait3A_245 = arith.constant 0 : i32
    %dma_wait3A_246 = tpu.memref_slice %arg7[%dma_wait3A_244, %dma_wait3A_245] : memref<1000001x32xf32, #tpu.memory_space<hbm>> -> memref<1000001x32xf32, #tpu.memory_space<hbm>>
    tpu.wait_indirect_dma semaphore(%arg25 : memref<!tpu.dma_semaphore, #tpu.memory_space<semaphore_mem>>) src(%dma_wait3A_246 : memref<1000001x32xf32, #tpu.memory_space<hbm>>) dst(%dma_wait3A_241 : memref<64x32xf32, #tpu.memory_space<vmem>>)
    %dma_wait3A_247 = arith.constant 384 : i32
    %dma_wait3A_248 = arith.constant 0 : i32
    %dma_wait3A_249 = tpu.memref_slice %arg18[%dma_wait3A_247, %dma_wait3A_248] : memref<512x32xf32, #tpu.memory_space<vmem>> -> memref<64x32xf32, #tpu.memory_space<vmem>>
    %dma_wait3A_250 = arith.constant 384 : i32
    %dma_wait3A_251 = tpu.memref_slice %arg13[%dma_wait3A_250] : memref<512xi32, #tpu.memory_space<vmem>> -> memref<64xi32, #tpu.memory_space<vmem>>
    %dma_wait3A_252 = arith.constant 0 : i32
    %dma_wait3A_253 = arith.constant 0 : i32
    %dma_wait3A_254 = tpu.memref_slice %arg7[%dma_wait3A_252, %dma_wait3A_253] : memref<1000001x32xf32, #tpu.memory_space<hbm>> -> memref<1000001x32xf32, #tpu.memory_space<hbm>>
    tpu.wait_indirect_dma semaphore(%arg25 : memref<!tpu.dma_semaphore, #tpu.memory_space<semaphore_mem>>) src(%dma_wait3A_254 : memref<1000001x32xf32, #tpu.memory_space<hbm>>) dst(%dma_wait3A_249 : memref<64x32xf32, #tpu.memory_space<vmem>>)
    %dma_wait3A_255 = arith.constant 448 : i32
    %dma_wait3A_256 = arith.constant 0 : i32
    %dma_wait3A_257 = tpu.memref_slice %arg18[%dma_wait3A_255, %dma_wait3A_256] : memref<512x32xf32, #tpu.memory_space<vmem>> -> memref<64x32xf32, #tpu.memory_space<vmem>>
    %dma_wait3A_258 = arith.constant 448 : i32
    %dma_wait3A_259 = tpu.memref_slice %arg13[%dma_wait3A_258] : memref<512xi32, #tpu.memory_space<vmem>> -> memref<64xi32, #tpu.memory_space<vmem>>
    %dma_wait3A_260 = arith.constant 0 : i32
    %dma_wait3A_261 = arith.constant 0 : i32
    %dma_wait3A_262 = tpu.memref_slice %arg7[%dma_wait3A_260, %dma_wait3A_261] : memref<1000001x32xf32, #tpu.memory_space<hbm>> -> memref<1000001x32xf32, #tpu.memory_space<hbm>>
    tpu.wait_indirect_dma semaphore(%arg25 : memref<!tpu.dma_semaphore, #tpu.memory_space<semaphore_mem>>) src(%dma_wait3A_262 : memref<1000001x32xf32, #tpu.memory_space<hbm>>) dst(%dma_wait3A_257 : memref<64x32xf32, #tpu.memory_space<vmem>>)
    %dma_wait3A_263 = arith.constant 0 : i32
    %dma_wait3A_264 = arith.constant 0 : i32
    %dma_wait3A_265 = tpu.memref_slice %arg19[%dma_wait3A_263, %dma_wait3A_264] : memref<512x16xf32, #tpu.memory_space<vmem>> -> memref<64x16xf32, #tpu.memory_space<vmem>>
    %dma_wait3A_266 = arith.constant 0 : i32
    %dma_wait3A_267 = tpu.memref_slice %arg14[%dma_wait3A_266] : memref<512xi32, #tpu.memory_space<vmem>> -> memref<64xi32, #tpu.memory_space<vmem>>
    %dma_wait3A_268 = arith.constant 0 : i32
    %dma_wait3A_269 = arith.constant 0 : i32
    %dma_wait3A_270 = tpu.memref_slice %arg8[%dma_wait3A_268, %dma_wait3A_269] : memref<10001x16xf32, #tpu.memory_space<hbm>> -> memref<10001x16xf32, #tpu.memory_space<hbm>>
    tpu.wait_indirect_dma semaphore(%arg25 : memref<!tpu.dma_semaphore, #tpu.memory_space<semaphore_mem>>) src(%dma_wait3A_270 : memref<10001x16xf32, #tpu.memory_space<hbm>>) dst(%dma_wait3A_265 : memref<64x16xf32, #tpu.memory_space<vmem>>)
    %dma_wait3A_271 = arith.constant 64 : i32
    %dma_wait3A_272 = arith.constant 0 : i32
    %dma_wait3A_273 = tpu.memref_slice %arg19[%dma_wait3A_271, %dma_wait3A_272] : memref<512x16xf32, #tpu.memory_space<vmem>> -> memref<64x16xf32, #tpu.memory_space<vmem>>
    %dma_wait3A_274 = arith.constant 64 : i32
    %dma_wait3A_275 = tpu.memref_slice %arg14[%dma_wait3A_274] : memref<512xi32, #tpu.memory_space<vmem>> -> memref<64xi32, #tpu.memory_space<vmem>>
    %dma_wait3A_276 = arith.constant 0 : i32
    %dma_wait3A_277 = arith.constant 0 : i32
    %dma_wait3A_278 = tpu.memref_slice %arg8[%dma_wait3A_276, %dma_wait3A_277] : memref<10001x16xf32, #tpu.memory_space<hbm>> -> memref<10001x16xf32, #tpu.memory_space<hbm>>
    tpu.wait_indirect_dma semaphore(%arg25 : memref<!tpu.dma_semaphore, #tpu.memory_space<semaphore_mem>>) src(%dma_wait3A_278 : memref<10001x16xf32, #tpu.memory_space<hbm>>) dst(%dma_wait3A_273 : memref<64x16xf32, #tpu.memory_space<vmem>>)
    %dma_wait3A_279 = arith.constant 128 : i32
    %dma_wait3A_280 = arith.constant 0 : i32
    %dma_wait3A_281 = tpu.memref_slice %arg19[%dma_wait3A_279, %dma_wait3A_280] : memref<512x16xf32, #tpu.memory_space<vmem>> -> memref<64x16xf32, #tpu.memory_space<vmem>>
    %dma_wait3A_282 = arith.constant 128 : i32
    %dma_wait3A_283 = tpu.memref_slice %arg14[%dma_wait3A_282] : memref<512xi32, #tpu.memory_space<vmem>> -> memref<64xi32, #tpu.memory_space<vmem>>
    %dma_wait3A_284 = arith.constant 0 : i32
    %dma_wait3A_285 = arith.constant 0 : i32
    %dma_wait3A_286 = tpu.memref_slice %arg8[%dma_wait3A_284, %dma_wait3A_285] : memref<10001x16xf32, #tpu.memory_space<hbm>> -> memref<10001x16xf32, #tpu.memory_space<hbm>>
    tpu.wait_indirect_dma semaphore(%arg25 : memref<!tpu.dma_semaphore, #tpu.memory_space<semaphore_mem>>) src(%dma_wait3A_286 : memref<10001x16xf32, #tpu.memory_space<hbm>>) dst(%dma_wait3A_281 : memref<64x16xf32, #tpu.memory_space<vmem>>)
    %dma_wait3A_287 = arith.constant 192 : i32
    %dma_wait3A_288 = arith.constant 0 : i32
    %dma_wait3A_289 = tpu.memref_slice %arg19[%dma_wait3A_287, %dma_wait3A_288] : memref<512x16xf32, #tpu.memory_space<vmem>> -> memref<64x16xf32, #tpu.memory_space<vmem>>
    %dma_wait3A_290 = arith.constant 192 : i32
    %dma_wait3A_291 = tpu.memref_slice %arg14[%dma_wait3A_290] : memref<512xi32, #tpu.memory_space<vmem>> -> memref<64xi32, #tpu.memory_space<vmem>>
    %dma_wait3A_292 = arith.constant 0 : i32
    %dma_wait3A_293 = arith.constant 0 : i32
    %dma_wait3A_294 = tpu.memref_slice %arg8[%dma_wait3A_292, %dma_wait3A_293] : memref<10001x16xf32, #tpu.memory_space<hbm>> -> memref<10001x16xf32, #tpu.memory_space<hbm>>
    tpu.wait_indirect_dma semaphore(%arg25 : memref<!tpu.dma_semaphore, #tpu.memory_space<semaphore_mem>>) src(%dma_wait3A_294 : memref<10001x16xf32, #tpu.memory_space<hbm>>) dst(%dma_wait3A_289 : memref<64x16xf32, #tpu.memory_space<vmem>>)
    %dma_wait3A_295 = arith.constant 256 : i32
    %dma_wait3A_296 = arith.constant 0 : i32
    %dma_wait3A_297 = tpu.memref_slice %arg19[%dma_wait3A_295, %dma_wait3A_296] : memref<512x16xf32, #tpu.memory_space<vmem>> -> memref<64x16xf32, #tpu.memory_space<vmem>>
    %dma_wait3A_298 = arith.constant 256 : i32
    %dma_wait3A_299 = tpu.memref_slice %arg14[%dma_wait3A_298] : memref<512xi32, #tpu.memory_space<vmem>> -> memref<64xi32, #tpu.memory_space<vmem>>
    %dma_wait3A_300 = arith.constant 0 : i32
    %dma_wait3A_301 = arith.constant 0 : i32
    %dma_wait3A_302 = tpu.memref_slice %arg8[%dma_wait3A_300, %dma_wait3A_301] : memref<10001x16xf32, #tpu.memory_space<hbm>> -> memref<10001x16xf32, #tpu.memory_space<hbm>>
    tpu.wait_indirect_dma semaphore(%arg25 : memref<!tpu.dma_semaphore, #tpu.memory_space<semaphore_mem>>) src(%dma_wait3A_302 : memref<10001x16xf32, #tpu.memory_space<hbm>>) dst(%dma_wait3A_297 : memref<64x16xf32, #tpu.memory_space<vmem>>)
    %dma_wait3A_303 = arith.constant 320 : i32
    %dma_wait3A_304 = arith.constant 0 : i32
    %dma_wait3A_305 = tpu.memref_slice %arg19[%dma_wait3A_303, %dma_wait3A_304] : memref<512x16xf32, #tpu.memory_space<vmem>> -> memref<64x16xf32, #tpu.memory_space<vmem>>
    %dma_wait3A_306 = arith.constant 320 : i32
    %dma_wait3A_307 = tpu.memref_slice %arg14[%dma_wait3A_306] : memref<512xi32, #tpu.memory_space<vmem>> -> memref<64xi32, #tpu.memory_space<vmem>>
    %dma_wait3A_308 = arith.constant 0 : i32
    %dma_wait3A_309 = arith.constant 0 : i32
    %dma_wait3A_310 = tpu.memref_slice %arg8[%dma_wait3A_308, %dma_wait3A_309] : memref<10001x16xf32, #tpu.memory_space<hbm>> -> memref<10001x16xf32, #tpu.memory_space<hbm>>
    tpu.wait_indirect_dma semaphore(%arg25 : memref<!tpu.dma_semaphore, #tpu.memory_space<semaphore_mem>>) src(%dma_wait3A_310 : memref<10001x16xf32, #tpu.memory_space<hbm>>) dst(%dma_wait3A_305 : memref<64x16xf32, #tpu.memory_space<vmem>>)
    %dma_wait3A_311 = arith.constant 384 : i32
    %dma_wait3A_312 = arith.constant 0 : i32
    %dma_wait3A_313 = tpu.memref_slice %arg19[%dma_wait3A_311, %dma_wait3A_312] : memref<512x16xf32, #tpu.memory_space<vmem>> -> memref<64x16xf32, #tpu.memory_space<vmem>>
    %dma_wait3A_314 = arith.constant 384 : i32
    %dma_wait3A_315 = tpu.memref_slice %arg14[%dma_wait3A_314] : memref<512xi32, #tpu.memory_space<vmem>> -> memref<64xi32, #tpu.memory_space<vmem>>
    %dma_wait3A_316 = arith.constant 0 : i32
    %dma_wait3A_317 = arith.constant 0 : i32
    %dma_wait3A_318 = tpu.memref_slice %arg8[%dma_wait3A_316, %dma_wait3A_317] : memref<10001x16xf32, #tpu.memory_space<hbm>> -> memref<10001x16xf32, #tpu.memory_space<hbm>>
    tpu.wait_indirect_dma semaphore(%arg25 : memref<!tpu.dma_semaphore, #tpu.memory_space<semaphore_mem>>) src(%dma_wait3A_318 : memref<10001x16xf32, #tpu.memory_space<hbm>>) dst(%dma_wait3A_313 : memref<64x16xf32, #tpu.memory_space<vmem>>)
    %dma_wait3A_319 = arith.constant 448 : i32
    %dma_wait3A_320 = arith.constant 0 : i32
    %dma_wait3A_321 = tpu.memref_slice %arg19[%dma_wait3A_319, %dma_wait3A_320] : memref<512x16xf32, #tpu.memory_space<vmem>> -> memref<64x16xf32, #tpu.memory_space<vmem>>
    %dma_wait3A_322 = arith.constant 448 : i32
    %dma_wait3A_323 = tpu.memref_slice %arg14[%dma_wait3A_322] : memref<512xi32, #tpu.memory_space<vmem>> -> memref<64xi32, #tpu.memory_space<vmem>>
    %dma_wait3A_324 = arith.constant 0 : i32
    %dma_wait3A_325 = arith.constant 0 : i32
    %dma_wait3A_326 = tpu.memref_slice %arg8[%dma_wait3A_324, %dma_wait3A_325] : memref<10001x16xf32, #tpu.memory_space<hbm>> -> memref<10001x16xf32, #tpu.memory_space<hbm>>
    tpu.wait_indirect_dma semaphore(%arg25 : memref<!tpu.dma_semaphore, #tpu.memory_space<semaphore_mem>>) src(%dma_wait3A_326 : memref<10001x16xf32, #tpu.memory_space<hbm>>) dst(%dma_wait3A_321 : memref<64x16xf32, #tpu.memory_space<vmem>>)
    %dma_wait3A_327 = arith.constant 0 : i32
    %dma_wait3A_328 = arith.constant 0 : i32
    %dma_wait3A_329 = tpu.memref_slice %arg22[%dma_wait3A_327, %dma_wait3A_328] : memref<512x16xf32, #tpu.memory_space<vmem>> -> memref<64x16xf32, #tpu.memory_space<vmem>>
    %dma_wait3A_330 = arith.constant 0 : i32
    %dma_wait3A_331 = tpu.memref_slice %arg17[%dma_wait3A_330] : memref<512xi32, #tpu.memory_space<vmem>> -> memref<64xi32, #tpu.memory_space<vmem>>
    %dma_wait3A_332 = arith.constant 0 : i32
    %dma_wait3A_333 = arith.constant 0 : i32
    %dma_wait3A_334 = tpu.memref_slice %arg11[%dma_wait3A_332, %dma_wait3A_333] : memref<100001x16xf32, #tpu.memory_space<hbm>> -> memref<100001x16xf32, #tpu.memory_space<hbm>>
    tpu.wait_indirect_dma semaphore(%arg25 : memref<!tpu.dma_semaphore, #tpu.memory_space<semaphore_mem>>) src(%dma_wait3A_334 : memref<100001x16xf32, #tpu.memory_space<hbm>>) dst(%dma_wait3A_329 : memref<64x16xf32, #tpu.memory_space<vmem>>)
    %dma_wait3A_335 = arith.constant 64 : i32
    %dma_wait3A_336 = arith.constant 0 : i32
    %dma_wait3A_337 = tpu.memref_slice %arg22[%dma_wait3A_335, %dma_wait3A_336] : memref<512x16xf32, #tpu.memory_space<vmem>> -> memref<64x16xf32, #tpu.memory_space<vmem>>
    %dma_wait3A_338 = arith.constant 64 : i32
    %dma_wait3A_339 = tpu.memref_slice %arg17[%dma_wait3A_338] : memref<512xi32, #tpu.memory_space<vmem>> -> memref<64xi32, #tpu.memory_space<vmem>>
    %dma_wait3A_340 = arith.constant 0 : i32
    %dma_wait3A_341 = arith.constant 0 : i32
    %dma_wait3A_342 = tpu.memref_slice %arg11[%dma_wait3A_340, %dma_wait3A_341] : memref<100001x16xf32, #tpu.memory_space<hbm>> -> memref<100001x16xf32, #tpu.memory_space<hbm>>
    tpu.wait_indirect_dma semaphore(%arg25 : memref<!tpu.dma_semaphore, #tpu.memory_space<semaphore_mem>>) src(%dma_wait3A_342 : memref<100001x16xf32, #tpu.memory_space<hbm>>) dst(%dma_wait3A_337 : memref<64x16xf32, #tpu.memory_space<vmem>>)
    %dma_wait3A_343 = arith.constant 128 : i32
    %dma_wait3A_344 = arith.constant 0 : i32
    %dma_wait3A_345 = tpu.memref_slice %arg22[%dma_wait3A_343, %dma_wait3A_344] : memref<512x16xf32, #tpu.memory_space<vmem>> -> memref<64x16xf32, #tpu.memory_space<vmem>>
    %dma_wait3A_346 = arith.constant 128 : i32
    %dma_wait3A_347 = tpu.memref_slice %arg17[%dma_wait3A_346] : memref<512xi32, #tpu.memory_space<vmem>> -> memref<64xi32, #tpu.memory_space<vmem>>
    %dma_wait3A_348 = arith.constant 0 : i32
    %dma_wait3A_349 = arith.constant 0 : i32
    %dma_wait3A_350 = tpu.memref_slice %arg11[%dma_wait3A_348, %dma_wait3A_349] : memref<100001x16xf32, #tpu.memory_space<hbm>> -> memref<100001x16xf32, #tpu.memory_space<hbm>>
    tpu.wait_indirect_dma semaphore(%arg25 : memref<!tpu.dma_semaphore, #tpu.memory_space<semaphore_mem>>) src(%dma_wait3A_350 : memref<100001x16xf32, #tpu.memory_space<hbm>>) dst(%dma_wait3A_345 : memref<64x16xf32, #tpu.memory_space<vmem>>)
    %dma_wait3A_351 = arith.constant 192 : i32
    %dma_wait3A_352 = arith.constant 0 : i32
    %dma_wait3A_353 = tpu.memref_slice %arg22[%dma_wait3A_351, %dma_wait3A_352] : memref<512x16xf32, #tpu.memory_space<vmem>> -> memref<64x16xf32, #tpu.memory_space<vmem>>
    %dma_wait3A_354 = arith.constant 192 : i32
    %dma_wait3A_355 = tpu.memref_slice %arg17[%dma_wait3A_354] : memref<512xi32, #tpu.memory_space<vmem>> -> memref<64xi32, #tpu.memory_space<vmem>>
    %dma_wait3A_356 = arith.constant 0 : i32
    %dma_wait3A_357 = arith.constant 0 : i32
    %dma_wait3A_358 = tpu.memref_slice %arg11[%dma_wait3A_356, %dma_wait3A_357] : memref<100001x16xf32, #tpu.memory_space<hbm>> -> memref<100001x16xf32, #tpu.memory_space<hbm>>
    tpu.wait_indirect_dma semaphore(%arg25 : memref<!tpu.dma_semaphore, #tpu.memory_space<semaphore_mem>>) src(%dma_wait3A_358 : memref<100001x16xf32, #tpu.memory_space<hbm>>) dst(%dma_wait3A_353 : memref<64x16xf32, #tpu.memory_space<vmem>>)
    %dma_wait3A_359 = arith.constant 256 : i32
    %dma_wait3A_360 = arith.constant 0 : i32
    %dma_wait3A_361 = tpu.memref_slice %arg22[%dma_wait3A_359, %dma_wait3A_360] : memref<512x16xf32, #tpu.memory_space<vmem>> -> memref<64x16xf32, #tpu.memory_space<vmem>>
    %dma_wait3A_362 = arith.constant 256 : i32
    %dma_wait3A_363 = tpu.memref_slice %arg17[%dma_wait3A_362] : memref<512xi32, #tpu.memory_space<vmem>> -> memref<64xi32, #tpu.memory_space<vmem>>
    %dma_wait3A_364 = arith.constant 0 : i32
    %dma_wait3A_365 = arith.constant 0 : i32
    %dma_wait3A_366 = tpu.memref_slice %arg11[%dma_wait3A_364, %dma_wait3A_365] : memref<100001x16xf32, #tpu.memory_space<hbm>> -> memref<100001x16xf32, #tpu.memory_space<hbm>>
    tpu.wait_indirect_dma semaphore(%arg25 : memref<!tpu.dma_semaphore, #tpu.memory_space<semaphore_mem>>) src(%dma_wait3A_366 : memref<100001x16xf32, #tpu.memory_space<hbm>>) dst(%dma_wait3A_361 : memref<64x16xf32, #tpu.memory_space<vmem>>)
    %dma_wait3A_367 = arith.constant 320 : i32
    %dma_wait3A_368 = arith.constant 0 : i32
    %dma_wait3A_369 = tpu.memref_slice %arg22[%dma_wait3A_367, %dma_wait3A_368] : memref<512x16xf32, #tpu.memory_space<vmem>> -> memref<64x16xf32, #tpu.memory_space<vmem>>
    %dma_wait3A_370 = arith.constant 320 : i32
    %dma_wait3A_371 = tpu.memref_slice %arg17[%dma_wait3A_370] : memref<512xi32, #tpu.memory_space<vmem>> -> memref<64xi32, #tpu.memory_space<vmem>>
    %dma_wait3A_372 = arith.constant 0 : i32
    %dma_wait3A_373 = arith.constant 0 : i32
    %dma_wait3A_374 = tpu.memref_slice %arg11[%dma_wait3A_372, %dma_wait3A_373] : memref<100001x16xf32, #tpu.memory_space<hbm>> -> memref<100001x16xf32, #tpu.memory_space<hbm>>
    tpu.wait_indirect_dma semaphore(%arg25 : memref<!tpu.dma_semaphore, #tpu.memory_space<semaphore_mem>>) src(%dma_wait3A_374 : memref<100001x16xf32, #tpu.memory_space<hbm>>) dst(%dma_wait3A_369 : memref<64x16xf32, #tpu.memory_space<vmem>>)
    %dma_wait3A_375 = arith.constant 384 : i32
    %dma_wait3A_376 = arith.constant 0 : i32
    %dma_wait3A_377 = tpu.memref_slice %arg22[%dma_wait3A_375, %dma_wait3A_376] : memref<512x16xf32, #tpu.memory_space<vmem>> -> memref<64x16xf32, #tpu.memory_space<vmem>>
    %dma_wait3A_378 = arith.constant 384 : i32
    %dma_wait3A_379 = tpu.memref_slice %arg17[%dma_wait3A_378] : memref<512xi32, #tpu.memory_space<vmem>> -> memref<64xi32, #tpu.memory_space<vmem>>
    %dma_wait3A_380 = arith.constant 0 : i32
    %dma_wait3A_381 = arith.constant 0 : i32
    %dma_wait3A_382 = tpu.memref_slice %arg11[%dma_wait3A_380, %dma_wait3A_381] : memref<100001x16xf32, #tpu.memory_space<hbm>> -> memref<100001x16xf32, #tpu.memory_space<hbm>>
    tpu.wait_indirect_dma semaphore(%arg25 : memref<!tpu.dma_semaphore, #tpu.memory_space<semaphore_mem>>) src(%dma_wait3A_382 : memref<100001x16xf32, #tpu.memory_space<hbm>>) dst(%dma_wait3A_377 : memref<64x16xf32, #tpu.memory_space<vmem>>)
    %dma_wait3A_383 = arith.constant 448 : i32
    %dma_wait3A_384 = arith.constant 0 : i32
    %dma_wait3A_385 = tpu.memref_slice %arg22[%dma_wait3A_383, %dma_wait3A_384] : memref<512x16xf32, #tpu.memory_space<vmem>> -> memref<64x16xf32, #tpu.memory_space<vmem>>
    %dma_wait3A_386 = arith.constant 448 : i32
    %dma_wait3A_387 = tpu.memref_slice %arg17[%dma_wait3A_386] : memref<512xi32, #tpu.memory_space<vmem>> -> memref<64xi32, #tpu.memory_space<vmem>>
    %dma_wait3A_388 = arith.constant 0 : i32
    %dma_wait3A_389 = arith.constant 0 : i32
    %dma_wait3A_390 = tpu.memref_slice %arg11[%dma_wait3A_388, %dma_wait3A_389] : memref<100001x16xf32, #tpu.memory_space<hbm>> -> memref<100001x16xf32, #tpu.memory_space<hbm>>
    tpu.wait_indirect_dma semaphore(%arg25 : memref<!tpu.dma_semaphore, #tpu.memory_space<semaphore_mem>>) src(%dma_wait3A_390 : memref<100001x16xf32, #tpu.memory_space<hbm>>) dst(%dma_wait3A_385 : memref<64x16xf32, #tpu.memory_space<vmem>>)
    %dma_start3A_391 = arith.constant 0 : i32
    %dma_start3A_392 = tpu.memref_slice %arg12[%mul3A_2, %dma_start3A_391] : memref<16384x96xf32, #tpu.memory_space<hbm>> -> memref<512x32xf32, #tpu.memory_space<hbm>>
    %dma_start3A_393 = arith.constant 0 : i32
    %dma_start3A_394 = tpu.memref_slice %arg12[%mul3A_2, %dma_start3A_393] : memref<16384x96xf32, #tpu.memory_space<hbm>> -> memref<512x32xf32, #tpu.memory_space<hbm>>
    tpu.enqueue_dma source(%arg18 : memref<512x32xf32, #tpu.memory_space<vmem>>) target(%dma_start3A_394 : memref<512x32xf32, #tpu.memory_space<hbm>>) target_semaphore(%arg26 : memref<!tpu.dma_semaphore, #tpu.memory_space<semaphore_mem>>)
    %dma_start3A_395 = arith.constant 32 : i32
    %dma_start3A_396 = tpu.memref_slice %arg12[%mul3A_2, %dma_start3A_395] : memref<16384x96xf32, #tpu.memory_space<hbm>> -> memref<512x16xf32, #tpu.memory_space<hbm>>
    %dma_start3A_397 = arith.constant 32 : i32
    %dma_start3A_398 = tpu.memref_slice %arg12[%mul3A_2, %dma_start3A_397] : memref<16384x96xf32, #tpu.memory_space<hbm>> -> memref<512x16xf32, #tpu.memory_space<hbm>>
    tpu.enqueue_dma source(%arg19 : memref<512x16xf32, #tpu.memory_space<vmem>>) target(%dma_start3A_398 : memref<512x16xf32, #tpu.memory_space<hbm>>) target_semaphore(%arg26 : memref<!tpu.dma_semaphore, #tpu.memory_space<semaphore_mem>>)
    %dma_start3A_399 = arith.constant 48 : i32
    %dma_start3A_400 = tpu.memref_slice %arg12[%mul3A_2, %dma_start3A_399] : memref<16384x96xf32, #tpu.memory_space<hbm>> -> memref<512x16xf32, #tpu.memory_space<hbm>>
    %dma_start3A_401 = arith.constant 48 : i32
    %dma_start3A_402 = tpu.memref_slice %arg12[%mul3A_2, %dma_start3A_401] : memref<16384x96xf32, #tpu.memory_space<hbm>> -> memref<512x16xf32, #tpu.memory_space<hbm>>
    tpu.enqueue_dma source(%arg20 : memref<512x16xf32, #tpu.memory_space<vmem>>) target(%dma_start3A_402 : memref<512x16xf32, #tpu.memory_space<hbm>>) target_semaphore(%arg26 : memref<!tpu.dma_semaphore, #tpu.memory_space<semaphore_mem>>)
    %dma_start3A_403 = arith.constant 64 : i32
    %dma_start3A_404 = tpu.memref_slice %arg12[%mul3A_2, %dma_start3A_403] : memref<16384x96xf32, #tpu.memory_space<hbm>> -> memref<512x16xf32, #tpu.memory_space<hbm>>
    %dma_start3A_405 = arith.constant 64 : i32
    %dma_start3A_406 = tpu.memref_slice %arg12[%mul3A_2, %dma_start3A_405] : memref<16384x96xf32, #tpu.memory_space<hbm>> -> memref<512x16xf32, #tpu.memory_space<hbm>>
    tpu.enqueue_dma source(%arg21 : memref<512x16xf32, #tpu.memory_space<vmem>>) target(%dma_start3A_406 : memref<512x16xf32, #tpu.memory_space<hbm>>) target_semaphore(%arg26 : memref<!tpu.dma_semaphore, #tpu.memory_space<semaphore_mem>>)
    %dma_start3A_407 = arith.constant 80 : i32
    %dma_start3A_408 = tpu.memref_slice %arg12[%mul3A_2, %dma_start3A_407] : memref<16384x96xf32, #tpu.memory_space<hbm>> -> memref<512x16xf32, #tpu.memory_space<hbm>>
    %dma_start3A_409 = arith.constant 80 : i32
    %dma_start3A_410 = tpu.memref_slice %arg12[%mul3A_2, %dma_start3A_409] : memref<16384x96xf32, #tpu.memory_space<hbm>> -> memref<512x16xf32, #tpu.memory_space<hbm>>
    tpu.enqueue_dma source(%arg22 : memref<512x16xf32, #tpu.memory_space<vmem>>) target(%dma_start3A_410 : memref<512x16xf32, #tpu.memory_space<hbm>>) target_semaphore(%arg26 : memref<!tpu.dma_semaphore, #tpu.memory_space<semaphore_mem>>)
    %dma_wait3A_411 = arith.constant 0 : i32
    %dma_wait3A_412 = tpu.memref_slice %arg12[%mul3A_2, %dma_wait3A_411] : memref<16384x96xf32, #tpu.memory_space<hbm>> -> memref<512x32xf32, #tpu.memory_space<hbm>>
    %dma_wait3A_413 = arith.constant 0 : i32
    %dma_wait3A_414 = tpu.memref_slice %arg12[%mul3A_2, %dma_wait3A_413] : memref<16384x96xf32, #tpu.memory_space<hbm>> -> memref<512x32xf32, #tpu.memory_space<hbm>>
    tpu.wait_dma2 semaphore(%arg26 : memref<!tpu.dma_semaphore, #tpu.memory_space<semaphore_mem>>) src(%arg18 : memref<512x32xf32, #tpu.memory_space<vmem>>) dst(%dma_wait3A_414 : memref<512x32xf32, #tpu.memory_space<hbm>>)
    %dma_wait3A_415 = arith.constant 32 : i32
    %dma_wait3A_416 = tpu.memref_slice %arg12[%mul3A_2, %dma_wait3A_415] : memref<16384x96xf32, #tpu.memory_space<hbm>> -> memref<512x16xf32, #tpu.memory_space<hbm>>
    %dma_wait3A_417 = arith.constant 32 : i32
    %dma_wait3A_418 = tpu.memref_slice %arg12[%mul3A_2, %dma_wait3A_417] : memref<16384x96xf32, #tpu.memory_space<hbm>> -> memref<512x16xf32, #tpu.memory_space<hbm>>
    tpu.wait_dma2 semaphore(%arg26 : memref<!tpu.dma_semaphore, #tpu.memory_space<semaphore_mem>>) src(%arg19 : memref<512x16xf32, #tpu.memory_space<vmem>>) dst(%dma_wait3A_418 : memref<512x16xf32, #tpu.memory_space<hbm>>)
    %dma_wait3A_419 = arith.constant 48 : i32
    %dma_wait3A_420 = tpu.memref_slice %arg12[%mul3A_2, %dma_wait3A_419] : memref<16384x96xf32, #tpu.memory_space<hbm>> -> memref<512x16xf32, #tpu.memory_space<hbm>>
    %dma_wait3A_421 = arith.constant 48 : i32
    %dma_wait3A_422 = tpu.memref_slice %arg12[%mul3A_2, %dma_wait3A_421] : memref<16384x96xf32, #tpu.memory_space<hbm>> -> memref<512x16xf32, #tpu.memory_space<hbm>>
    tpu.wait_dma2 semaphore(%arg26 : memref<!tpu.dma_semaphore, #tpu.memory_space<semaphore_mem>>) src(%arg20 : memref<512x16xf32, #tpu.memory_space<vmem>>) dst(%dma_wait3A_422 : memref<512x16xf32, #tpu.memory_space<hbm>>)
    %dma_wait3A_423 = arith.constant 64 : i32
    %dma_wait3A_424 = tpu.memref_slice %arg12[%mul3A_2, %dma_wait3A_423] : memref<16384x96xf32, #tpu.memory_space<hbm>> -> memref<512x16xf32, #tpu.memory_space<hbm>>
    %dma_wait3A_425 = arith.constant 64 : i32
    %dma_wait3A_426 = tpu.memref_slice %arg12[%mul3A_2, %dma_wait3A_425] : memref<16384x96xf32, #tpu.memory_space<hbm>> -> memref<512x16xf32, #tpu.memory_space<hbm>>
    tpu.wait_dma2 semaphore(%arg26 : memref<!tpu.dma_semaphore, #tpu.memory_space<semaphore_mem>>) src(%arg21 : memref<512x16xf32, #tpu.memory_space<vmem>>) dst(%dma_wait3A_426 : memref<512x16xf32, #tpu.memory_space<hbm>>)
    %dma_wait3A_427 = arith.constant 80 : i32
    %dma_wait3A_428 = tpu.memref_slice %arg12[%mul3A_2, %dma_wait3A_427] : memref<16384x96xf32, #tpu.memory_space<hbm>> -> memref<512x16xf32, #tpu.memory_space<hbm>>
    %dma_wait3A_429 = arith.constant 80 : i32
    %dma_wait3A_430 = tpu.memref_slice %arg12[%mul3A_2, %dma_wait3A_429] : memref<16384x96xf32, #tpu.memory_space<hbm>> -> memref<512x16xf32, #tpu.memory_space<hbm>>
    tpu.wait_dma2 semaphore(%arg26 : memref<!tpu.dma_semaphore, #tpu.memory_space<semaphore_mem>>) src(%arg22 : memref<512x16xf32, #tpu.memory_space<vmem>>) dst(%dma_wait3A_430 : memref<512x16xf32, #tpu.memory_space<hbm>>)
    return
  }
}

</mosaic_0001>

<sc_bundles>
// kernel: kernel.3.cloned.1.call-start
scs
__scs_entry_jumppad:
0x0: {  	(pc) =	sbr.rel $0x88, $3  }
0x1: {  	(tag) =	ssettag $0x0;
	lr =	simm.s32 $0x1  }
0x2: {  	[smem:$0x3F97] =	sst lr;
	_ =	strace $0xD0000000  }
0x3: {  	_ = 	snop  }
0x4: {  	_ = 	snop  }
0x5: {  	_ = 	snop  }
0x6: {  	_ = 	snop  }
0x7: {  	_ = 	snop  }
__scs_overlays_trampoline_lowered:
0x8: {  	[smem:$0x3FA6] =	sst s0  }
0x9: {  	[smem:$0x3FA7] =	sst s1  }
0xa: {  	[smem:$0x3FA8] =	sst s2  }
0xb: {  	[smem:$0x3FA9] =	sst s3  }
0xc: {  	[smem:$0x3FAA] =	sst s4  }
0xd: {  	[smem:$0x3FAB] =	sst s5  }
0xe: {  	[smem:$0x3FAC] =	sst s6  }
0xf: {  	[smem:$0x3FAD] =	sst s7  }
0x10: {  	[smem:$0x3FAE] =	sst s8  }
0x11: {  	[smem:$0x3FAF] =	sst s9;
	s0 =	simm.s32 @!p0 $0x0  }
0x12: {  	s1 =	sld [smem:$0x3F95];
	s0 =	simm.s32 @p0 $0x1  }
0x13: {  	[smem:$0x3FB0] =	sst s0;
	s0 =	simm.s32 @!p1 $0x0  }
0x14: {  	s2 =	sld [smem:$0x3F94];
	s0 =	simm.s32 @p1 $0x1  }
0x15: {  	[smem:$0x3FB1] =	sst s0;
	s0 =	simm.s32 @!p2 $0x0  }
0x16: {  	s3 =	sld [smem:$0x3FDB];
	s0 =	simm.s32 @p2 $0x1  }
0x17: {  	s4 =	simm.s32 $0x1BF5;
	[smem:$0x3FB3] =	sst s0  }
0x18: {  	s0 =	sld [smem:$0x3F96];
	_ =	swait.ge [sflag:s4], $0x0  }
0x19: {  	s7 =	sld [smem:$0x3F97]  }
0x1a: {  	s8 =	sadd.s32 $0xFFFFE003, lr  }
0x1b: {  	s9 =	sadd.s32 $0xFFFFFEF7, lr;
	s5 =	simm.s32 $0xFFFFFFFF;
	p2 =	slt.u32 s8, $0xFFFFF086  }
0x1c: {  	p1 =	slt.u32 s9, $0xF7A;
	s5 =	simm.s32 @!p2 $0x0  }
0x1d: {  	s5 =	simm.s32 @p1 $0x1;
	p0 =	seq.s32 s7, s2  }
0x1e: {  	s7 =	smul.u32 @!p0 $0xF7A, s2;
	p2 =	seq.s32 @!p0 s5, $0x0  }
0x1f: {  	s9 =	smul.u32 $0xF7A, s1;
	s8 =	simm.s32 @!p0 $0x1BF5;
	p2 =	por !p2, p0  }
0x20: {  	[sflag:s8] =	ssyncset.s32 @!p0 $0xFFFFF086;
	s6 =	sadd.s32 @!p0 s3, s7;
	s7 =	simm.s32 @!p0 $0x108  }
0x21: {  	s3 =	sadd.s32 s3, s9;
	s6 =	sadd.s32 @!p0 $0x88, s6;
	s7 =	simm.s32 @p2 $0x1082  }
0x22: {  	[simem:s7], [sflag:s8] =	dma.local @!p0 [hbm:s6], $0xF7A  }
0x23: {  	s9 =	sor.u32 $0xD0000000, s2;
	s6 =	simm.s32 $0x108;
	_ =	swait.ge @!p0 [sflag:s8], $0x0  }
0x24: {  	s3 =	sadd.s32 $0x88, s3;
	s6 =	simm.s32 @!p1 $0x1082;
	[sflag:s4] =	ssyncset.s32 $0xFFFFF086  }
0x25: {  	[simem:s6], [sflag:s4] =	dma.local [hbm:s3], $0xF7A  }
0x26: {  	[smem:$0x3F97] =	sst s1;
	(tag) =	ssettag s2;
	_ =	strace s9  }
0x27: {  	s1 =	sld [smem:$0x3FA7]  }
0x28: {  	s2 =	sld [smem:$0x3FA8]  }
0x29: {  	s4 =	sld [smem:$0x3FAA]  }
0x2a: {  	p0 =	seq.s32 s5, $0x0;
	s5 =	sld [smem:$0x3FAB]  }
0x2b: {  	s6 =	sld [smem:$0x3FAC]  }
0x2c: {  	s7 =	sld [smem:$0x3FAD]  }
0x2d: {  	s3 =	simm.s32 $0x108;
	s8 =	sld [smem:$0x3FAE]  }
0x2e: {  	s3 =	simm.s32 @!p0 $0x1082;
	s9 =	sld [smem:$0x3FAF]  }
0x2f: {  	lr =	sadd.s32 s0, s3;
	s0 =	sld [smem:$0x3FA6]  }
0x30: {  	s3 =	sld [smem:$0x3FA9]  }
0x31: {  	[smem:$0x3FB2] =	sst s10  }
0x32: {  	s10 =	sld [smem:$0x3FB0];
	_ =	sdelay $0x3  }
0x33: {  	p0 =	seq.s32 s10, $0x1;
	s10 =	sld [smem:$0x3FB2];
	_ =	sdelay $0x3  }
0x34: {  	[smem:$0x3FB2] =	sst s10  }
0x35: {  	s10 =	sld [smem:$0x3FB1];
	_ =	sdelay $0x3  }
0x36: {  	p1 =	seq.s32 s10, $0x1;
	s10 =	sld [smem:$0x3FB2];
	_ =	sdelay $0x3  }
0x37: {  	[smem:$0x3FB2] =	sst s10  }
0x38: {  	s10 =	sld [smem:$0x3FB3]  }
0x39: {  	_ = 	snop;
	(pc) =	sbr.ind lr, $3  }
0x3a: {  	_ = 	snop  }
0x3b: {  	_ = 	snop  }
0x3c: {  	p2 =	seq.s32 s10, $0x1;
	s10 =	sld [smem:$0x3FB2]  }
0x3d: {  	_ =	shalt  }
0x3e: {  	_ =	shalt  }
0x3f: {  	_ =	shalt  }
0x40: {  	_ =	shalt  }
0x41: {  	_ =	shalt  }
0x42: {  	_ =	shalt  }
0x43: {  	_ =	shalt  }
0x44: {  	_ =	shalt  }
0x45: {  	_ =	shalt  }
0x46: {  	_ =	shalt  }
0x47: {  	_ =	shalt  }
0x48: {  	_ =	shalt  }
0x49: {  	_ =	shalt  }
0x4a: {  	_ =	shalt  }
0x4b: {  	_ =	shalt  }
0x4c: {  	_ =	shalt  }
0x4d: {  	_ =	shalt  }
0x4e: {  	_ =	shalt  }
0x4f: {  	_ =	shalt  }
0x50: {  	_ =	shalt  }
0x51: {  	_ =	shalt  }
0x52: {  	_ =	shalt  }
0x53: {  	_ =	shalt  }
0x54: {  	_ =	shalt  }
0x55: {  	_ =	shalt  }
0x56: {  	_ =	shalt  }
0x57: {  	_ =	shalt  }
0x58: {  	_ =	shalt  }
0x59: {  	_ =	shalt  }
0x5a: {  	_ =	shalt  }
0x5b: {  	_ =	shalt  }
0x5c: {  	_ =	shalt  }
0x5d: {  	_ =	shalt  }
0x5e: {  	_ =	shalt  }
0x5f: {  	_ =	shalt  }
0x60: {  	_ =	shalt  }
0x61: {  	_ =	shalt  }
0x62: {  	_ =	shalt  }
0x63: {  	_ =	shalt  }
0x64: {  	_ =	shalt  }
0x65: {  	_ =	shalt  }
0x66: {  	_ =	shalt  }
0x67: {  	_ =	shalt  }
0x68: {  	_ =	shalt  }
0x69: {  	_ =	shalt  }
0x6a: {  	_ =	shalt  }
0x6b: {  	_ =	shalt  }
0x6c: {  	_ =	shalt  }
0x6d: {  	_ =	shalt  }
0x6e: {  	_ =	shalt  }
0x6f: {  	_ =	shalt  }
0x70: {  	_ =	shalt  }
0x71: {  	_ =	shalt  }
0x72: {  	_ =	shalt  }
0x73: {  	_ =	shalt  }
0x74: {  	_ =	shalt  }
0x75: {  	_ =	shalt  }
0x76: {  	_ =	shalt  }
0x77: {  	_ =	shalt  }
0x78: {  	_ =	shalt  }
0x79: {  	_ =	shalt  }
0x7a: {  	_ =	shalt  }
0x7b: {  	_ =	shalt  }
0x7c: {  	_ =	shalt  }
0x7d: {  	_ =	shalt  }
0x7e: {  	_ =	shalt  }
0x7f: {  	_ =	shalt  }
0x80: {  	_ =	shalt  }
0x81: {  	_ =	shalt  }
0x82: {  	_ =	shalt  }
0x83: {  	_ =	shalt  }
0x84: {  	_ =	shalt  }
0x85: {  	_ =	shalt  }
0x86: {  	_ =	shalt  }
0x87: {  	_ =	shalt  }
.Lfunc_end0:
.L_simem_size_0:
called_computation_lowered:
.L_overlay_start_0:
0x88: {  	s2 =	sld [smem:$0x3FD9]  }
0x89: {  	s3 =	sld [smem:$0x3FFE];
	_ =	sdelay $0x1  }
0x8a: {  	s1 =	srdreg.scid  }
0x8b: {  	s0 =	sand.u32 $0x1, s1  }
0x8c: {  	s17 =	sshll.u32 s0, $0xA;
	s2 =	sadd.s32 s3, s2  }
0x8d: {  	s2 =	sadd.s32 s2, s17  }
0x8e: {  	[smem:$0x3FBE] =	sst s2  }
0x8f: {  	_ = 	snop  }
0x90: {  	s2 =	sld [smem:$0x3FC9]  }
0x91: {  	s18 =	sld [smem:$0x3FC8]  }
0x92: {  	s4 =	sld [smem:$0x3FC7]  }
0x93: {  	s5 =	sld [smem:$0x3FC6]  }
0x94: {  	s6 =	sld [smem:$0x3FC5]  }
0x95: {  	s7 =	sld [smem:$0x3FD0];
	(tm) =	ssettm $0x1  }
0x96: {  	s8 =	sld [smem:$0x3FFB];
	_ =	sdelay $0x3  }
0x97: {  	_ =	strace s8  }
0x98: {  	s8 =	sld [smem:$0x3FFC];
	_ =	sdelay $0x3  }
0x99: {  	_ =	strace s8  }
0x9a: {  	s8 =	sld [smem:$0x3FFD];
	_ =	sdelay $0x3  }
0x9b: {  	_ =	strace s8  }
0x9c: {  	_ =	strace $0x8FFFFFFF  }
0x9d: {  	s19 =	sld [smem:$0x3FDB];
	_ =	sdelay $0x1  }
0x9e: {  	s9 =	simm.s32 $_scs_section_size  }
0x9f: {  	s10 =	simm.s32 $_size__tile_overlayer_lowered;
	s11 =	simm.s32 $_tile_overlayer_lowered  }
0xa0: {  	s22 =	simm.s32 $0x1BFF;
	s21 =	sshll.u32 s11, $0x1;
	s8 =	sadd.s32 s9, s19  }
0xa1: {  	s12 =	simm.s32 $0x0;
	s20 =	sshll.u32 s10, $0x1;
	s10 =	sadd.s32 s21, s8  }
0xa2: {  	[timem:s12], [sflag:s22] =	dma.local [hbm:s10], s20  }
0xa3: {  	_ =	swait.ge [sflag:s22], s20  }
0xa4: {  	s9 =	ssub.s32 $0x0, s20;
	[sflag:s22] =	ssyncset.done $0x0  }
0xa5: {  	[sflag:s22] =	ssyncadd.s32 s9;
	_ =	sdelay $0x1  }
0xa6: {  	s23 =	simm.s32 $0x1B8B  }
0xa7: {  	_ =	swait.ge [sflag:s23], $0x1  }
0xa8: {  	[sflag:s23] =	ssyncset.done $0x0  }
0xa9: {  	s25 =	simm.s32 $0x1B8E;
	s24 =	sld [smem:$0x3FFE];
	[sflag:s23] =	ssyncadd.s32 $0xFFFFFFFF  }
0xaa: {  	s26 =	simm.s32 $execute0_lowered;
	[smem:$0x3FD2] =	sst s25  }
0xab: {  	s10 =	sshll.u32 s26, $0x1;
	_ =	strace $0x80000046;
	[dreg:$0x1] =	wrdreg $0xFFFFFFFF  }
0xac: {  	s28 =	simm.s32 $_size_execute0_lowered;
	s8 =	sadd.s32 s8, s10;
	[dreg:$0x0] =	wrdreg $0x0  }
0xad: {  	s10 =	sshll.u32 s28, $0x1;
	[dreg:$0x2] =	wrdreg s8  }
0xae: {  	[dreg:$0x3] =	wrdreg s10  }
0xaf: {  	[dreg:$0x4] =	wrdreg $0xC0  }
0xb0: {  	_ =	task [dreg:s12], $0x5FFFF  }
0xb1: {  	[dreg:$0x1] =	wrdreg $0xFFFFFFFF  }
0xb2: {  	[dreg:$0x0] =	wrdreg $0x60  }
0xb3: {  	[dreg:$0x2] =	wrdreg s2  }
0xb4: {  	[dreg:$0x3] =	wrdreg s18  }
0xb5: {  	[dreg:$0x4] =	wrdreg s4  }
0xb6: {  	[dreg:$0x5] =	wrdreg s5  }
0xb7: {  	[dreg:$0x6] =	wrdreg s6  }
0xb8: {  	[dreg:$0x7] =	wrdreg s24  }
0xb9: {  	[dreg:$0x8] =	wrdreg s7  }
0xba: {  	[dreg:$0x9] =	wrdreg $0x9  }
0xbb: {  	_ =	task.clear_ibuf [dreg:s12], $0xAFFFF;
	_ =	strace $0x90000046  }
0xbc: {  	s29 =	simm.s32 $0x9;
	_ =	strace $0x80000048  }
0xbd: {  	_ =	swait.ge [sflag:s29], $0x1  }
0xbe: {  	[sflag:s29] =	ssyncadd.s32 $0xFFFFFFFF  }
0xbf: {  	_ =	strace $0x90000048  }
0xc0: {  	_ =	sfence  }
0xc1: {  	s30 =	sld [smem:$0x0];
	_ =	sdelay $0x2  }
0xc2: {  	s31 =	sshll.u32 s1, $0xD;
	s1 =	sshrl.u32 s1, $0x2  }
0xc3: {  	s3 =	sand.u32 $0x4000, s31;
	s1 =	sadd.s32 s1, s30  }
0xc4: {  	s0 =	sor.u32 s3, s0;
	s1 =	sshll.u32 s1, $0x11  }
0xc5: {  	s0 =	sor.u32 s1, s0  }
0xc6: {  	s0 =	sadd.s32 $0x8F2B, s0  }
0xc7: {  	[sflag:s0] =	ssyncadd.remote.s32 $0x1  }
0xc8: {  	_ =	sfence.sel $0xFFFF  }
0xc9: {  	[dreg:$0x0] =	wrdreg $0xFFFFFFFF;
	(pc) =	sbr.abs _section_cstart, $3  }
0xca: {  	[dreg:$0x1] =	wrdreg $0xFFFFFFFF  }
0xcb: {  	_ =	task.clear_ibuf [dreg:s12], $0x2FFFF;
	_ =	strace $0x9FFFFFFF  }
0xcc: {  	(tm) =	ssettm $0x7FFFFFFF  }
0xcd: {  	_ =	shalt  }
tec
execute0_lowered:
.L_overlay_start_1:
0x0: {  	(tag) =	ssettag $0x1  }
0x1: {  	s0 =	rddreg [dreg:$0x0]  }
0x2: {  	s3 =	rddreg [dreg:$0x1]  }
0x3: {  	s5 =	rddreg [dreg:$0x2]  }
0x4: {  	s6 =	rddreg [dreg:$0x3]  }
0x5: {  	s8 =	rddreg [dreg:$0x4]  }
0x6: {  	s7 =	rddreg [dreg:$0x5]  }
0x7: {  	s9 =	rddreg [dreg:$0x6];
	s1 =	simm.s32 $0x0;
	s21 =	srdreg.scid  }
0x8: {  	s12 =	stileid.u32;
	s19 =	simm.s32 $0x3;
	s29 =	simm.s32 $0xAA00  }
0x9: {  	s28 =	simm.s32 $0x6A00;
	s30 =	simm.s32 $0x8A00;
	s31 =	simm.s32 $0x1  }
0xa: {  	[smem:$0x7FF] =	sst s1;
	s2 =	sadd.s32 $0xF43200, s7;
	s4 =	sadd.s32 $0xC00, s7  }
0xb: {  	s10 =	sadd.s32 $0x5C00, s7;
	s11 =	sadd.s32 $0x5E00, s7;
	s12 =	sshll.u32 s12, $0xA  }
0xc: {  	_ =	strace $0x80000047;
	[dreg:$0x8] =	wrdreg s10;
	s10 =	sand.u32 $0x1, s21  }
0xd: {  	s7 =	sadd.s32 $0x187800, s7;
	s22 =	ssub.s32 $0x2, s10;
	s10 =	sshll.u32 s10, $0x9  }
0xe: {  	[dreg:$0x9] =	wrdreg s11;
	s13 =	sshrl.u32 s22, $0x1;
	s10 =	sor.u32 s10, s12  }
0xf: {  	s18 =	ssub.s32 s22, s13;
	s12 =	sshrl.u32 s10, $0x3;
	s23 =	smul.u32 $0xC, s10  }
0x10: {  	s22 =	simm.s32 $0xCA00;
	s0 =	sadd.s32 s0, s12;
	s24 =	sadd.s32 s3, s12  }
0x11: {  	s25 =	sadd.s32 s5, s12;
	s26 =	sadd.s32 s6, s12;
	[dreg:$0xa] =	wrdreg s0  }
0x12: {  	s12 =	sadd.s32 s8, s12;
	s18 =	smax.u32 s18, $0x1;
	[dreg:$0xb] =	wrdreg s24  }
0x13: {  	s3 =	simm.s32 $0x4A00;
	s5 =	simm.s32 $0x2;
	[dreg:$0xc] =	wrdreg s25  }
0x14: {  	s6 =	simm.s32 $0x0;
	[dreg:$0xd] =	wrdreg s26;
	s13 =	sadd.s32 s9, s23  }
0x15: {  	s23 =	simm.s32 $0xCB80;
	s24 =	simm.s32 $0x40;
	s25 =	simm.s32 $0xA00  }
0x16: {  	v0 =	vlaneseq.u32;
	s26 =	simm.s32 $0x60;
	s0 =	simm.s32 $0x10;
	s14 =	sadd.s32 $0x4, s13  }
0x17: {  	v0 =	vmul.u32 $0x10, v0;
	s15 =	sadd.s32 $0x6, s13;
	s16 =	sadd.s32 $0x8, s13;
	s17 =	sadd.s32 $0xA, s13  }
.LBB2_1:
0x18: {  	s8 =	rddreg [dreg:$0xa]  }
0x19: {  	[tilespmem:s1], [sflag:$0x3] =	stream.linear.gather [hbm4b:s8+s1], $0x200, $0x38;
	[tilespmem:$0xCBF0] =	vst v63  }
0x1a: {  	_ =	swait.ge [sflag:s19], $0x200  }
0x1b: {  	[sflag:s19] =	ssyncset.done $0x0  }
0x1c: {  	s20 =	simm.s32 $0x200;
	s11 =	rddreg [dreg:$0xb];
	[sflag:s19] =	ssyncadd.s32 $0xFFFFFE00  }
0x1d: {  	[tilespmem:s20], [sflag:$0x3] =	stream.linear.gather [hbm4b:s11+s1], $0x200, $0x38;
	[tilespmem:$0xCBF0] =	vst v63  }
0x1e: {  	_ =	swait.ge [sflag:s19], $0x200  }
0x1f: {  	[sflag:s19] =	ssyncset.done $0x0  }
0x20: {  	s8 =	simm.s32 $0x400;
	s9 =	rddreg [dreg:$0xc];
	[sflag:s19] =	ssyncadd.s32 $0xFFFFFE00  }
0x21: {  	[tilespmem:s8], [sflag:$0x3] =	stream.linear.gather [hbm4b:s9+s1], $0x200, $0x38;
	[tilespmem:$0xCBF0] =	vst v63  }
0x22: {  	_ =	swait.ge [sflag:s19], $0x200  }
0x23: {  	[sflag:s19] =	ssyncset.done $0x0  }
0x24: {  	s9 =	simm.s32 $0x600;
	s10 =	rddreg [dreg:$0xd];
	[sflag:s19] =	ssyncadd.s32 $0xFFFFFE00  }
0x25: {  	[tilespmem:s9], [sflag:$0x3] =	stream.linear.gather [hbm4b:s10+s1], $0x200, $0x38;
	[tilespmem:$0xCBF0] =	vst v63  }
0x26: {  	_ =	swait.ge [sflag:s19], $0x200  }
0x27: {  	[sflag:s19] =	ssyncset.done $0x0  }
0x28: {  	s11 =	simm.s32 $0x800;
	[sflag:s19] =	ssyncadd.s32 $0xFFFFFE00  }
0x29: {  	[tilespmem:s11], [sflag:$0x3] =	stream.linear.gather [hbm4b:s12+s1], $0x200, $0x38;
	[tilespmem:$0xCBF0] =	vst v63  }
0x2a: {  	_ =	swait.ge [sflag:s19], $0x200  }
0x2b: {  	[sflag:s19] =	ssyncset.done $0x0  }
0x2c: {  	s21 =	rddreg [dreg:$0x8];
	[sflag:s19] =	ssyncadd.s32 $0xFFFFFE00  }
0x2d: {  	[tilespmem:s22], [sflag:$0x3] =	stream.linear.gather [hbm4b:s21+s1], $0x180, $0x38;
	[tilespmem:$0xCBF0] =	vst v63  }
0x2e: {  	_ =	swait.ge [sflag:s19], $0x180  }
0x2f: {  	[sflag:s19] =	ssyncset.done $0x0  }
0x30: {  	s21 =	rddreg [dreg:$0x9];
	[sflag:s19] =	ssyncadd.s32 $0xFFFFFE80  }
0x31: {  	[tilespmem:s23], [sflag:$0x3] =	stream.linear.gather [hbm4b:s21+s1], $0x70, $0x38;
	[tilespmem:$0xCBF0] =	vst v63  }
0x32: {  	_ =	swait.ge [sflag:s19], $0x70  }
0x33: {  	[sflag:s19] =	ssyncset.done $0x0  }
0x34: {  	[sflag:s19] =	ssyncadd.s32 $0xFFFFFF90  }
0x35: {  	[tilespmem:s25], [sflag:$0x1] =	stream.indirect.gather [hbm4b:s2+s24], $0x20, s1, s24, $0xb8;
	[tilespmem:$0xCBF0] =	vst v63  }
0x36: {  	s21 =	simm.s32 $0x1200  }
0x37: {  	[tilespmem:s21], [sflag:$0x1] =	stream.indirect.gather [hbm4b:s2+s24], $0x20, s24, s24, $0xb8;
	[tilespmem:$0xCBF0] =	vst v63  }
0x38: {  	s10 =	simm.s32 $0x80;
	s21 =	simm.s32 $0x1A00  }
0x39: {  	[tilespmem:s21], [sflag:$0x1] =	stream.indirect.gather [hbm4b:s2+s24], $0x20, s10, s24, $0xb8;
	[tilespmem:$0xCBF0] =	vst v63  }
0x3a: {  	s10 =	simm.s32 $0xC0;
	s21 =	simm.s32 $0x2200  }
0x3b: {  	[tilespmem:s21], [sflag:$0x1] =	stream.indirect.gather [hbm4b:s2+s24], $0x20, s10, s24, $0xb8;
	[tilespmem:$0xCBF0] =	vst v63  }
0x3c: {  	s10 =	simm.s32 $0x100;
	s21 =	simm.s32 $0x2A00  }
0x3d: {  	[tilespmem:s21], [sflag:$0x1] =	stream.indirect.gather [hbm4b:s2+s24], $0x20, s10, s24, $0xb8;
	[tilespmem:$0xCBF0] =	vst v63  }
0x3e: {  	s10 =	simm.s32 $0x140;
	s21 =	simm.s32 $0x3200  }
0x3f: {  	[tilespmem:s21], [sflag:$0x1] =	stream.indirect.gather [hbm4b:s2+s24], $0x20, s10, s24, $0xb8;
	[tilespmem:$0xCBF0] =	vst v63  }
0x40: {  	s10 =	simm.s32 $0x180;
	s21 =	simm.s32 $0x3A00  }
0x41: {  	[tilespmem:s21], [sflag:$0x1] =	stream.indirect.gather [hbm4b:s2+s24], $0x20, s10, s24, $0xb8;
	[tilespmem:$0xCBF0] =	vst v63  }
0x42: {  	s10 =	simm.s32 $0x1C0;
	s21 =	simm.s32 $0x4200  }
0x43: {  	[tilespmem:s21], [sflag:$0x1] =	stream.indirect.gather [hbm4b:s2+s24], $0x20, s10, s24, $0xb8;
	[tilespmem:$0xCBF0] =	vst v63  }
0x44: {  	_ = 	snop  }
0x45: {  	[tilespmem:s3], [sflag:$0x1] =	stream.indirect.gather [hbm4b:s4+s24], $0x10, s20, s24, $0xb8;
	[tilespmem:$0xCBF0] =	vst v63  }
0x46: {  	s21 =	simm.s32 $0x4E00;
	s20 =	simm.s32 $0x240  }
0x47: {  	[tilespmem:s21], [sflag:$0x1] =	stream.indirect.gather [hbm4b:s4+s24], $0x10, s20, s24, $0xb8;
	[tilespmem:$0xCBF0] =	vst v63  }
0x48: {  	s20 =	simm.s32 $0x280;
	s21 =	simm.s32 $0x5200  }
0x49: {  	[tilespmem:s21], [sflag:$0x1] =	stream.indirect.gather [hbm4b:s4+s24], $0x10, s20, s24, $0xb8;
	[tilespmem:$0xCBF0] =	vst v63  }
0x4a: {  	s20 =	simm.s32 $0x2C0;
	s21 =	simm.s32 $0x5600  }
0x4b: {  	[tilespmem:s21], [sflag:$0x1] =	stream.indirect.gather [hbm4b:s4+s24], $0x10, s20, s24, $0xb8;
	[tilespmem:$0xCBF0] =	vst v63  }
0x4c: {  	s20 =	simm.s32 $0x300;
	s21 =	simm.s32 $0x5A00  }
0x4d: {  	[tilespmem:s21], [sflag:$0x1] =	stream.indirect.gather [hbm4b:s4+s24], $0x10, s20, s24, $0xb8;
	[tilespmem:$0xCBF0] =	vst v63  }
0x4e: {  	s20 =	simm.s32 $0x340;
	s21 =	simm.s32 $0x5E00  }
0x4f: {  	[tilespmem:s21], [sflag:$0x1] =	stream.indirect.gather [hbm4b:s4+s24], $0x10, s20, s24, $0xb8;
	[tilespmem:$0xCBF0] =	vst v63  }
0x50: {  	s20 =	simm.s32 $0x380;
	s21 =	simm.s32 $0x6200  }
0x51: {  	[tilespmem:s21], [sflag:$0x1] =	stream.indirect.gather [hbm4b:s4+s24], $0x10, s20, s24, $0xb8;
	[tilespmem:$0xCBF0] =	vst v63  }
0x52: {  	s20 =	simm.s32 $0x3C0;
	s21 =	simm.s32 $0x6600  }
0x53: {  	[tilespmem:s21], [sflag:$0x1] =	stream.indirect.gather [hbm4b:s4+s24], $0x10, s20, s24, $0xb8;
	[tilespmem:$0xCBF0] =	vst v63  }
0x54: {  	_ = 	snop  }
0x55: {  	[tilespmem:s29], [sflag:$0x1] =	stream.indirect.gather [hbm4b:s7+s24], $0x10, s11, s24, $0xb8;
	[tilespmem:$0xCBF0] =	vst v63  }
0x56: {  	s20 =	simm.s32 $0x840;
	s21 =	simm.s32 $0xAE00  }
0x57: {  	[tilespmem:s21], [sflag:$0x1] =	stream.indirect.gather [hbm4b:s7+s24], $0x10, s20, s24, $0xb8;
	[tilespmem:$0xCBF0] =	vst v63  }
0x58: {  	s20 =	simm.s32 $0x880;
	s21 =	simm.s32 $0xB200  }
0x59: {  	[tilespmem:s21], [sflag:$0x1] =	stream.indirect.gather [hbm4b:s7+s24], $0x10, s20, s24, $0xb8;
	[tilespmem:$0xCBF0] =	vst v63  }
0x5a: {  	s20 =	simm.s32 $0x8C0;
	s21 =	simm.s32 $0xB600  }
0x5b: {  	[tilespmem:s21], [sflag:$0x1] =	stream.indirect.gather [hbm4b:s7+s24], $0x10, s20, s24, $0xb8;
	[tilespmem:$0xCBF0] =	vst v63  }
0x5c: {  	s20 =	simm.s32 $0x900;
	s21 =	simm.s32 $0xBA00  }
0x5d: {  	[tilespmem:s21], [sflag:$0x1] =	stream.indirect.gather [hbm4b:s7+s24], $0x10, s20, s24, $0xb8;
	[tilespmem:$0xCBF0] =	vst v63  }
0x5e: {  	s20 =	simm.s32 $0x940;
	s21 =	simm.s32 $0xBE00  }
0x5f: {  	[tilespmem:s21], [sflag:$0x1] =	stream.indirect.gather [hbm4b:s7+s24], $0x10, s20, s24, $0xb8;
	[tilespmem:$0xCBF0] =	vst v63  }
0x60: {  	s20 =	simm.s32 $0x980;
	s21 =	simm.s32 $0xC200  }
0x61: {  	[tilespmem:s21], [sflag:$0x1] =	stream.indirect.gather [hbm4b:s7+s24], $0x10, s20, s24, $0xb8;
	[tilespmem:$0xCBF0] =	vst v63  }
0x62: {  	s20 =	simm.s32 $0x9C0;
	s21 =	simm.s32 $0xC600  }
0x63: {  	[tilespmem:s21], [sflag:$0x1] =	stream.indirect.gather [hbm4b:s7+s24], $0x10, s20, s24, $0xb8;
	[tilespmem:$0xCBF0] =	vst v63  }
0x64: {  	v1 =	vld [tilespmem:s8+$0x0];
	_ =	sdelay $0x4  }
0x65: {  	v1 =	vshll.u32 v1, $0x4  }
0x66: {  	v2 =	vld [tilespmem:s9+$0x0];
	_ =	sdelay $0x1  }
0x67: {  	v3 =	vmov s1  }
0x68: {  	v3 =	vshll.u32 v3, $0x4  }
0x69: {  	v3 =	vor.u32 v0, v3;
	v4 =	vld.idx.msk [tilespmem:v1+s22+$0x0], $0xffff  }
0x6a: {  	v2 =	vshll.u32 v2, $0x4;
	_ =	sdelay $0x3  }
0x6b: {  	[tilespmem:v3+s28+$0x0] =	vst.idx.msk $0xffff, v4  }
0x6c: {  	v4 =	vld.idx.msk [tilespmem:v2+s23+$0x0], $0xffff  }
0x6d: {  	v5 =	vor.u32 $0x1, v1;
	_ =	sdelay $0x3  }
0x6e: {  	[tilespmem:v3+s30+$0x0] =	vst.idx.msk $0xffff, v4  }
0x6f: {  	v24 =	vor.u32 $0x1, v3;
	v4 =	vld.idx.msk [tilespmem:v5+s22+$0x0], $0xffff  }
0x70: {  	v6 =	vor.u32 $0x1, v2;
	_ =	sdelay $0x3  }
0x71: {  	[tilespmem:v24+s28+$0x0] =	vst.idx.msk $0xffff, v4  }
0x72: {  	v4 =	vld.idx.msk [tilespmem:v6+s23+$0x0], $0xffff  }
0x73: {  	v25 =	vor.u32 $0x2, v1;
	_ =	sdelay $0x3  }
0x74: {  	[tilespmem:v24+s30+$0x0] =	vst.idx.msk $0xffff, v4  }
0x75: {  	v26 =	vor.u32 $0x2, v3;
	v4 =	vld.idx.msk [tilespmem:v25+s22+$0x0], $0xffff  }
0x76: {  	v27 =	vor.u32 $0x2, v2;
	_ =	sdelay $0x3  }
0x77: {  	[tilespmem:v26+s28+$0x0] =	vst.idx.msk $0xffff, v4  }
0x78: {  	v4 =	vld.idx.msk [tilespmem:v27+s23+$0x0], $0xffff  }
0x79: {  	v28 =	vor.u32 $0x3, v1;
	_ =	sdelay $0x3  }
0x7a: {  	[tilespmem:v26+s30+$0x0] =	vst.idx.msk $0xffff, v4  }
0x7b: {  	v29 =	vor.u32 $0x3, v3;
	v4 =	vld.idx.msk [tilespmem:v28+s22+$0x0], $0xffff  }
0x7c: {  	v30 =	vor.u32 $0x3, v2;
	_ =	sdelay $0x3  }
0x7d: {  	[tilespmem:v29+s28+$0x0] =	vst.idx.msk $0xffff, v4  }
0x7e: {  	v4 =	vld.idx.msk [tilespmem:v30+s23+$0x0], $0xffff  }
0x7f: {  	v31 =	vor.u32 $0x4, v1;
	_ =	sdelay $0x3  }
0x80: {  	[tilespmem:v29+s30+$0x0] =	vst.idx.msk $0xffff, v4  }
0x81: {  	v32 =	vor.u32 $0x4, v3;
	v4 =	vld.idx.msk [tilespmem:v31+s22+$0x0], $0xffff  }
0x82: {  	v33 =	vor.u32 $0x4, v2;
	_ =	sdelay $0x3  }
0x83: {  	[tilespmem:v32+s28+$0x0] =	vst.idx.msk $0xffff, v4  }
0x84: {  	v4 =	vld.idx.msk [tilespmem:v33+s23+$0x0], $0xffff  }
0x85: {  	v34 =	vor.u32 $0x5, v1;
	_ =	sdelay $0x3  }
0x86: {  	[tilespmem:v32+s30+$0x0] =	vst.idx.msk $0xffff, v4  }
0x87: {  	v35 =	vor.u32 $0x5, v3;
	v4 =	vld.idx.msk [tilespmem:v34+s22+$0x0], $0xffff  }
0x88: {  	v36 =	vor.u32 $0x5, v2;
	_ =	sdelay $0x3  }
0x89: {  	[tilespmem:v35+s28+$0x0] =	vst.idx.msk $0xffff, v4  }
0x8a: {  	v4 =	vld.idx.msk [tilespmem:v36+s23+$0x0], $0xffff  }
0x8b: {  	v37 =	vor.u32 $0x6, v1;
	_ =	sdelay $0x3  }
0x8c: {  	[tilespmem:v35+s30+$0x0] =	vst.idx.msk $0xffff, v4  }
0x8d: {  	v38 =	vor.u32 $0x6, v3;
	v4 =	vld.idx.msk [tilespmem:v37+s22+$0x0], $0xffff  }
0x8e: {  	v39 =	vor.u32 $0x6, v2;
	_ =	sdelay $0x3  }
0x8f: {  	[tilespmem:v38+s28+$0x0] =	vst.idx.msk $0xffff, v4  }
0x90: {  	v4 =	vld.idx.msk [tilespmem:v39+s23+$0x0], $0xffff  }
0x91: {  	v40 =	vor.u32 $0x7, v1;
	_ =	sdelay $0x3  }
0x92: {  	[tilespmem:v38+s30+$0x0] =	vst.idx.msk $0xffff, v4  }
0x93: {  	v41 =	vor.u32 $0x7, v3;
	v4 =	vld.idx.msk [tilespmem:v40+s22+$0x0], $0xffff  }
0x94: {  	v42 =	vor.u32 $0x7, v2;
	_ =	sdelay $0x3  }
0x95: {  	[tilespmem:v41+s28+$0x0] =	vst.idx.msk $0xffff, v4  }
0x96: {  	v4 =	vld.idx.msk [tilespmem:v42+s23+$0x0], $0xffff  }
0x97: {  	v43 =	vor.u32 $0x8, v1;
	_ =	sdelay $0x3  }
0x98: {  	[tilespmem:v41+s30+$0x0] =	vst.idx.msk $0xffff, v4  }
0x99: {  	v44 =	vor.u32 $0x8, v3;
	v4 =	vld.idx.msk [tilespmem:v43+s22+$0x0], $0xffff  }
0x9a: {  	v45 =	vor.u32 $0x8, v2;
	_ =	sdelay $0x3  }
0x9b: {  	[tilespmem:v44+s28+$0x0] =	vst.idx.msk $0xffff, v4  }
0x9c: {  	v4 =	vld.idx.msk [tilespmem:v45+s23+$0x0], $0xffff  }
0x9d: {  	v46 =	vor.u32 $0x9, v1;
	_ =	sdelay $0x3  }
0x9e: {  	[tilespmem:v44+s30+$0x0] =	vst.idx.msk $0xffff, v4  }
0x9f: {  	v47 =	vor.u32 $0x9, v3;
	v4 =	vld.idx.msk [tilespmem:v46+s22+$0x0], $0xffff  }
0xa0: {  	v48 =	vor.u32 $0x9, v2;
	_ =	sdelay $0x3  }
0xa1: {  	[tilespmem:v47+s28+$0x0] =	vst.idx.msk $0xffff, v4  }
0xa2: {  	v4 =	vld.idx.msk [tilespmem:v48+s23+$0x0], $0xffff  }
0xa3: {  	v49 =	vor.u32 $0xA, v1;
	_ =	sdelay $0x3  }
0xa4: {  	[tilespmem:v47+s30+$0x0] =	vst.idx.msk $0xffff, v4  }
0xa5: {  	v50 =	vor.u32 $0xA, v3;
	v4 =	vld.idx.msk [tilespmem:v49+s22+$0x0], $0xffff  }
0xa6: {  	v51 =	vor.u32 $0xA, v2;
	_ =	sdelay $0x3  }
0xa7: {  	[tilespmem:v50+s28+$0x0] =	vst.idx.msk $0xffff, v4  }
0xa8: {  	v4 =	vld.idx.msk [tilespmem:v51+s23+$0x0], $0xffff  }
0xa9: {  	v52 =	vor.u32 $0xB, v1;
	_ =	sdelay $0x3  }
0xaa: {  	[tilespmem:v50+s30+$0x0] =	vst.idx.msk $0xffff, v4  }
0xab: {  	v53 =	vor.u32 $0xB, v3;
	v4 =	vld.idx.msk [tilespmem:v52+s22+$0x0], $0xffff  }
0xac: {  	v54 =	vor.u32 $0xB, v2;
	_ =	sdelay $0x3  }
0xad: {  	[tilespmem:v53+s28+$0x0] =	vst.idx.msk $0xffff, v4  }
0xae: {  	v4 =	vld.idx.msk [tilespmem:v54+s23+$0x0], $0xffff  }
0xaf: {  	v55 =	vor.u32 $0xC, v1;
	_ =	sdelay $0x3  }
0xb0: {  	[tilespmem:v53+s30+$0x0] =	vst.idx.msk $0xffff, v4  }
0xb1: {  	v56 =	vor.u32 $0xC, v3;
	v4 =	vld.idx.msk [tilespmem:v55+s22+$0x0], $0xffff  }
0xb2: {  	v57 =	vor.u32 $0xC, v2;
	_ =	sdelay $0x3  }
0xb3: {  	[tilespmem:v56+s28+$0x0] =	vst.idx.msk $0xffff, v4  }
0xb4: {  	v4 =	vld.idx.msk [tilespmem:v57+s23+$0x0], $0xffff  }
0xb5: {  	v58 =	vor.u32 $0xD, v1;
	_ =	sdelay $0x3  }
0xb6: {  	[tilespmem:v56+s30+$0x0] =	vst.idx.msk $0xffff, v4  }
0xb7: {  	v59 =	vor.u32 $0xD, v3;
	v4 =	vld.idx.msk [tilespmem:v58+s22+$0x0], $0xffff  }
0xb8: {  	v60 =	vor.u32 $0xD, v2;
	_ =	sdelay $0x3  }
0xb9: {  	[tilespmem:v59+s28+$0x0] =	vst.idx.msk $0xffff, v4  }
0xba: {  	v4 =	vld.idx.msk [tilespmem:v60+s23+$0x0], $0xffff  }
0xbb: {  	v61 =	vor.u32 $0xE, v1;
	_ =	sdelay $0x3  }
0xbc: {  	[tilespmem:v59+s30+$0x0] =	vst.idx.msk $0xffff, v4  }
0xbd: {  	v62 =	vor.u32 $0xE, v3;
	v4 =	vld.idx.msk [tilespmem:v61+s22+$0x0], $0xffff  }
0xbe: {  	v63 =	vor.u32 $0xE, v2;
	_ =	sdelay $0x3  }
0xbf: {  	[tilespmem:v62+s28+$0x0] =	vst.idx.msk $0xffff, v4  }
0xc0: {  	v4 =	vld.idx.msk [tilespmem:v63+s23+$0x0], $0xffff  }
0xc1: {  	v1 =	vor.u32 $0xF, v1;
	_ =	sdelay $0x3  }
0xc2: {  	[tilespmem:v62+s30+$0x0] =	vst.idx.msk $0xffff, v4  }
0xc3: {  	v4 =	vld.idx.msk [tilespmem:v1+s22+$0x0], $0xffff;
	v1 =	vor.u32 $0xF, v3  }
0xc4: {  	v2 =	vor.u32 $0xF, v2;
	_ =	sdelay $0x3  }
0xc5: {  	[tilespmem:v1+s28+$0x0] =	vst.idx.msk $0xffff, v4  }
0xc6: {  	s20 =	simm.s32 $0x10;
	v2 =	vld.idx.msk [tilespmem:v2+s23+$0x0], $0xffff  }
.LBB2_2:
0xc7: {  	_ =	sdelay $0x3  }
0xc8: {  	p0 =	sne.s32 s20, $0x1F0;
	s8 =	sadd.s32 $0x10, s8;
	s9 =	sadd.s32 $0x10, s9;
	[tilespmem:v1+s30+$0x0] =	vst.idx.msk $0xffff, v2  }
0xc9: {  	s10 =	smov.u32 s20;
	s20 =	sadd.s32 $0x10, s20;
	v1 =	vld [tilespmem:s8+$0x0];
	_ =	sdelay $0x4  }
0xca: {  	v1 =	vshll.u32 v1, $0x4;
	_ =	sdelay $0x1  }
0xcb: {  	v3 =	vld [tilespmem:s9+$0x0];
	_ =	sdelay $0x1  }
0xcc: {  	v2 =	vmov s10  }
0xcd: {  	v2 =	vshll.u32 v2, $0x4;
	v4 =	vld.idx.msk [tilespmem:v1+s22+$0x0], $0xffff  }
0xce: {  	v2 =	vor.u32 v0, v2  }
0xcf: {  	v3 =	vshll.u32 v3, $0x4;
	_ =	sdelay $0x3  }
0xd0: {  	[tilespmem:v2+s28+$0x0] =	vst.idx.msk $0xffff, v4  }
0xd1: {  	v4 =	vld.idx.msk [tilespmem:v3+s23+$0x0], $0xffff;
	_ =	sdelay $0x1  }
0xd2: {  	v5 =	vor.u32 $0x1, v1;
	_ =	sdelay $0x3  }
0xd3: {  	[tilespmem:v2+s30+$0x0] =	vst.idx.msk $0xffff, v4  }
0xd4: {  	v4 =	vld.idx.msk [tilespmem:v5+s22+$0x0], $0xffff  }
0xd5: {  	v5 =	vor.u32 $0x1, v2  }
0xd6: {  	v6 =	vor.u32 $0x1, v3;
	_ =	sdelay $0x3  }
0xd7: {  	[tilespmem:v5+s28+$0x0] =	vst.idx.msk $0xffff, v4  }
0xd8: {  	v4 =	vld.idx.msk [tilespmem:v6+s23+$0x0], $0xffff;
	_ =	sdelay $0x1  }
0xd9: {  	v6 =	vor.u32 $0x2, v1;
	_ =	sdelay $0x3  }
0xda: {  	[tilespmem:v5+s30+$0x0] =	vst.idx.msk $0xffff, v4  }
0xdb: {  	v4 =	vld.idx.msk [tilespmem:v6+s22+$0x0], $0xffff  }
0xdc: {  	v5 =	vor.u32 $0x2, v2  }
0xdd: {  	v6 =	vor.u32 $0x2, v3;
	_ =	sdelay $0x3  }
0xde: {  	[tilespmem:v5+s28+$0x0] =	vst.idx.msk $0xffff, v4  }
0xdf: {  	v4 =	vld.idx.msk [tilespmem:v6+s23+$0x0], $0xffff;
	_ =	sdelay $0x1  }
0xe0: {  	v6 =	vor.u32 $0x3, v1;
	_ =	sdelay $0x3  }
0xe1: {  	[tilespmem:v5+s30+$0x0] =	vst.idx.msk $0xffff, v4  }
0xe2: {  	v4 =	vld.idx.msk [tilespmem:v6+s22+$0x0], $0xffff  }
0xe3: {  	v5 =	vor.u32 $0x3, v2  }
0xe4: {  	v6 =	vor.u32 $0x3, v3;
	_ =	sdelay $0x3  }
0xe5: {  	[tilespmem:v5+s28+$0x0] =	vst.idx.msk $0xffff, v4  }
0xe6: {  	v4 =	vld.idx.msk [tilespmem:v6+s23+$0x0], $0xffff;
	_ =	sdelay $0x1  }
0xe7: {  	v6 =	vor.u32 $0x4, v1;
	_ =	sdelay $0x3  }
0xe8: {  	[tilespmem:v5+s30+$0x0] =	vst.idx.msk $0xffff, v4  }
0xe9: {  	v4 =	vld.idx.msk [tilespmem:v6+s22+$0x0], $0xffff  }
0xea: {  	v5 =	vor.u32 $0x4, v2  }
0xeb: {  	v6 =	vor.u32 $0x4, v3;
	_ =	sdelay $0x3  }
0xec: {  	[tilespmem:v5+s28+$0x0] =	vst.idx.msk $0xffff, v4  }
0xed: {  	v4 =	vld.idx.msk [tilespmem:v6+s23+$0x0], $0xffff;
	_ =	sdelay $0x1  }
0xee: {  	v6 =	vor.u32 $0x5, v1;
	_ =	sdelay $0x3  }
0xef: {  	[tilespmem:v5+s30+$0x0] =	vst.idx.msk $0xffff, v4  }
0xf0: {  	v4 =	vld.idx.msk [tilespmem:v6+s22+$0x0], $0xffff  }
0xf1: {  	v5 =	vor.u32 $0x5, v2  }
0xf2: {  	v6 =	vor.u32 $0x5, v3;
	_ =	sdelay $0x3  }
0xf3: {  	[tilespmem:v5+s28+$0x0] =	vst.idx.msk $0xffff, v4  }
0xf4: {  	v4 =	vld.idx.msk [tilespmem:v6+s23+$0x0], $0xffff;
	_ =	sdelay $0x1  }
0xf5: {  	v6 =	vor.u32 $0x6, v1;
	_ =	sdelay $0x3  }
0xf6: {  	[tilespmem:v5+s30+$0x0] =	vst.idx.msk $0xffff, v4  }
0xf7: {  	v4 =	vld.idx.msk [tilespmem:v6+s22+$0x0], $0xffff  }
0xf8: {  	v5 =	vor.u32 $0x6, v2  }
0xf9: {  	v6 =	vor.u32 $0x6, v3;
	_ =	sdelay $0x3  }
0xfa: {  	[tilespmem:v5+s28+$0x0] =	vst.idx.msk $0xffff, v4  }
0xfb: {  	v4 =	vld.idx.msk [tilespmem:v6+s23+$0x0], $0xffff;
	_ =	sdelay $0x1  }
0xfc: {  	v6 =	vor.u32 $0x7, v1;
	_ =	sdelay $0x3  }
0xfd: {  	[tilespmem:v5+s30+$0x0] =	vst.idx.msk $0xffff, v4  }
0xfe: {  	v4 =	vld.idx.msk [tilespmem:v6+s22+$0x0], $0xffff  }
0xff: {  	v5 =	vor.u32 $0x7, v2  }
0x100: {  	v6 =	vor.u32 $0x7, v3;
	_ =	sdelay $0x3  }
0x101: {  	[tilespmem:v5+s28+$0x0] =	vst.idx.msk $0xffff, v4  }
0x102: {  	v4 =	vld.idx.msk [tilespmem:v6+s23+$0x0], $0xffff;
	_ =	sdelay $0x1  }
0x103: {  	v6 =	vor.u32 $0x8, v1;
	_ =	sdelay $0x3  }
0x104: {  	[tilespmem:v5+s30+$0x0] =	vst.idx.msk $0xffff, v4  }
0x105: {  	v4 =	vld.idx.msk [tilespmem:v6+s22+$0x0], $0xffff  }
0x106: {  	v5 =	vor.u32 $0x8, v2  }
0x107: {  	v6 =	vor.u32 $0x8, v3;
	_ =	sdelay $0x3  }
0x108: {  	[tilespmem:v5+s28+$0x0] =	vst.idx.msk $0xffff, v4  }
0x109: {  	v4 =	vld.idx.msk [tilespmem:v6+s23+$0x0], $0xffff;
	_ =	sdelay $0x1  }
0x10a: {  	v6 =	vor.u32 $0x9, v1;
	_ =	sdelay $0x3  }
0x10b: {  	[tilespmem:v5+s30+$0x0] =	vst.idx.msk $0xffff, v4  }
0x10c: {  	v4 =	vld.idx.msk [tilespmem:v6+s22+$0x0], $0xffff  }
0x10d: {  	v5 =	vor.u32 $0x9, v2  }
0x10e: {  	v6 =	vor.u32 $0x9, v3;
	_ =	sdelay $0x3  }
0x10f: {  	[tilespmem:v5+s28+$0x0] =	vst.idx.msk $0xffff, v4  }
0x110: {  	v4 =	vld.idx.msk [tilespmem:v6+s23+$0x0], $0xffff;
	_ =	sdelay $0x1  }
0x111: {  	v6 =	vor.u32 $0xA, v1;
	_ =	sdelay $0x3  }
0x112: {  	[tilespmem:v5+s30+$0x0] =	vst.idx.msk $0xffff, v4  }
0x113: {  	v4 =	vld.idx.msk [tilespmem:v6+s22+$0x0], $0xffff  }
0x114: {  	v5 =	vor.u32 $0xA, v2  }
0x115: {  	v6 =	vor.u32 $0xA, v3;
	_ =	sdelay $0x3  }
0x116: {  	[tilespmem:v5+s28+$0x0] =	vst.idx.msk $0xffff, v4  }
0x117: {  	v4 =	vld.idx.msk [tilespmem:v6+s23+$0x0], $0xffff;
	_ =	sdelay $0x1  }
0x118: {  	v6 =	vor.u32 $0xB, v1;
	_ =	sdelay $0x3  }
0x119: {  	[tilespmem:v5+s30+$0x0] =	vst.idx.msk $0xffff, v4  }
0x11a: {  	v4 =	vld.idx.msk [tilespmem:v6+s22+$0x0], $0xffff  }
0x11b: {  	v5 =	vor.u32 $0xB, v2  }
0x11c: {  	v6 =	vor.u32 $0xB, v3;
	_ =	sdelay $0x3  }
0x11d: {  	[tilespmem:v5+s28+$0x0] =	vst.idx.msk $0xffff, v4  }
0x11e: {  	v4 =	vld.idx.msk [tilespmem:v6+s23+$0x0], $0xffff;
	_ =	sdelay $0x1  }
0x11f: {  	v6 =	vor.u32 $0xC, v1;
	_ =	sdelay $0x3  }
0x120: {  	[tilespmem:v5+s30+$0x0] =	vst.idx.msk $0xffff, v4  }
0x121: {  	v4 =	vld.idx.msk [tilespmem:v6+s22+$0x0], $0xffff  }
0x122: {  	v5 =	vor.u32 $0xC, v2  }
0x123: {  	v6 =	vor.u32 $0xC, v3;
	_ =	sdelay $0x3  }
0x124: {  	[tilespmem:v5+s28+$0x0] =	vst.idx.msk $0xffff, v4  }
0x125: {  	v4 =	vld.idx.msk [tilespmem:v6+s23+$0x0], $0xffff;
	_ =	sdelay $0x1  }
0x126: {  	v6 =	vor.u32 $0xD, v1;
	_ =	sdelay $0x3  }
0x127: {  	[tilespmem:v5+s30+$0x0] =	vst.idx.msk $0xffff, v4  }
0x128: {  	v4 =	vld.idx.msk [tilespmem:v6+s22+$0x0], $0xffff  }
0x129: {  	v5 =	vor.u32 $0xD, v2  }
0x12a: {  	v6 =	vor.u32 $0xD, v3;
	_ =	sdelay $0x3  }
0x12b: {  	[tilespmem:v5+s28+$0x0] =	vst.idx.msk $0xffff, v4  }
0x12c: {  	v4 =	vld.idx.msk [tilespmem:v6+s23+$0x0], $0xffff;
	_ =	sdelay $0x1  }
0x12d: {  	v6 =	vor.u32 $0xE, v1;
	_ =	sdelay $0x3  }
0x12e: {  	[tilespmem:v5+s30+$0x0] =	vst.idx.msk $0xffff, v4  }
0x12f: {  	v4 =	vld.idx.msk [tilespmem:v6+s22+$0x0], $0xffff  }
0x130: {  	v5 =	vor.u32 $0xE, v2  }
0x131: {  	v6 =	vor.u32 $0xE, v3;
	_ =	sdelay $0x3  }
0x132: {  	[tilespmem:v5+s28+$0x0] =	vst.idx.msk $0xffff, v4  }
0x133: {  	v4 =	vld.idx.msk [tilespmem:v6+s23+$0x0], $0xffff;
	_ =	sdelay $0x1  }
0x134: {  	v1 =	vor.u32 $0xF, v1;
	_ =	sdelay $0x3  }
0x135: {  	[tilespmem:v5+s30+$0x0] =	vst.idx.msk $0xffff, v4  }
0x136: {  	v4 =	vld.idx.msk [tilespmem:v1+s22+$0x0], $0xffff  }
0x137: {  	v1 =	vor.u32 $0xF, v2  }
0x138: {  	v2 =	vor.u32 $0xF, v3  }
.Ltmp0:
0x139: {  	(pc) =	sbr.rel @p0 .LBB2_2-.Ltmp0, $3  }
0x13a: {  	_ =	sdelay $0x1  }
0x13b: {  	[tilespmem:v1+s28+$0x0] =	vst.idx.msk $0xffff, v4  }
0x13c: {  	v2 =	vld.idx.msk [tilespmem:v2+s23+$0x0], $0xffff  }
0x13d: {  	_ =	sdelay $0x3  }
0x13e: {  	[tilespmem:v1+s30+$0x0] =	vst.idx.msk $0xffff, v2  }
0x13f: {  	_ =	swait.ge [sflag:s31], $0x800  }
0x140: {  	[sflag:s31] =	ssyncset.done $0x0  }
0x141: {  	[sflag:s31] =	ssyncadd.s32 $0xFFFFF800  }
0x142: {  	_ =	swait.ge [sflag:s31], $0x800  }
0x143: {  	[sflag:s31] =	ssyncset.done $0x0  }
0x144: {  	[sflag:s31] =	ssyncadd.s32 $0xFFFFF800  }
0x145: {  	_ =	swait.ge [sflag:s31], $0x800  }
0x146: {  	[sflag:s31] =	ssyncset.done $0x0  }
0x147: {  	[sflag:s31] =	ssyncadd.s32 $0xFFFFF800  }
0x148: {  	_ =	swait.ge [sflag:s31], $0x800  }
0x149: {  	[sflag:s31] =	ssyncset.done $0x0  }
0x14a: {  	[sflag:s31] =	ssyncadd.s32 $0xFFFFF800  }
0x14b: {  	_ =	swait.ge [sflag:s31], $0x800  }
0x14c: {  	[sflag:s31] =	ssyncset.done $0x0  }
0x14d: {  	[sflag:s31] =	ssyncadd.s32 $0xFFFFF800  }
0x14e: {  	_ =	swait.ge [sflag:s31], $0x800  }
0x14f: {  	[sflag:s31] =	ssyncset.done $0x0  }
0x150: {  	[sflag:s31] =	ssyncadd.s32 $0xFFFFF800  }
0x151: {  	_ =	swait.ge [sflag:s31], $0x800  }
0x152: {  	[sflag:s31] =	ssyncset.done $0x0  }
0x153: {  	[sflag:s31] =	ssyncadd.s32 $0xFFFFF800  }
0x154: {  	_ =	swait.ge [sflag:s31], $0x800  }
0x155: {  	[sflag:s31] =	ssyncset.done $0x0  }
0x156: {  	[sflag:s31] =	ssyncadd.s32 $0xFFFFF800  }
0x157: {  	_ =	swait.ge [sflag:s31], $0x400  }
0x158: {  	[sflag:s31] =	ssyncset.done $0x0  }
0x159: {  	[sflag:s31] =	ssyncadd.s32 $0xFFFFFC00  }
0x15a: {  	_ =	swait.ge [sflag:s31], $0x400  }
0x15b: {  	[sflag:s31] =	ssyncset.done $0x0  }
0x15c: {  	[sflag:s31] =	ssyncadd.s32 $0xFFFFFC00  }
0x15d: {  	_ =	swait.ge [sflag:s31], $0x400  }
0x15e: {  	[sflag:s31] =	ssyncset.done $0x0  }
0x15f: {  	[sflag:s31] =	ssyncadd.s32 $0xFFFFFC00  }
0x160: {  	_ =	swait.ge [sflag:s31], $0x400  }
0x161: {  	[sflag:s31] =	ssyncset.done $0x0  }
0x162: {  	[sflag:s31] =	ssyncadd.s32 $0xFFFFFC00  }
0x163: {  	_ =	swait.ge [sflag:s31], $0x400  }
0x164: {  	[sflag:s31] =	ssyncset.done $0x0  }
0x165: {  	[sflag:s31] =	ssyncadd.s32 $0xFFFFFC00  }
0x166: {  	_ =	swait.ge [sflag:s31], $0x400  }
0x167: {  	[sflag:s31] =	ssyncset.done $0x0  }
0x168: {  	[sflag:s31] =	ssyncadd.s32 $0xFFFFFC00  }
0x169: {  	_ =	swait.ge [sflag:s31], $0x400  }
0x16a: {  	[sflag:s31] =	ssyncset.done $0x0  }
0x16b: {  	[sflag:s31] =	ssyncadd.s32 $0xFFFFFC00  }
0x16c: {  	_ =	swait.ge [sflag:s31], $0x400  }
0x16d: {  	[sflag:s31] =	ssyncset.done $0x0  }
0x16e: {  	[sflag:s31] =	ssyncadd.s32 $0xFFFFFC00  }
0x16f: {  	_ =	swait.ge [sflag:s31], $0x400  }
0x170: {  	[sflag:s31] =	ssyncset.done $0x0  }
0x171: {  	[sflag:s31] =	ssyncadd.s32 $0xFFFFFC00  }
0x172: {  	_ =	swait.ge [sflag:s31], $0x400  }
0x173: {  	[sflag:s31] =	ssyncset.done $0x0  }
0x174: {  	[sflag:s31] =	ssyncadd.s32 $0xFFFFFC00  }
0x175: {  	_ =	swait.ge [sflag:s31], $0x400  }
0x176: {  	[sflag:s31] =	ssyncset.done $0x0  }
0x177: {  	[sflag:s31] =	ssyncadd.s32 $0xFFFFFC00  }
0x178: {  	_ =	swait.ge [sflag:s31], $0x400  }
0x179: {  	[sflag:s31] =	ssyncset.done $0x0  }
0x17a: {  	[sflag:s31] =	ssyncadd.s32 $0xFFFFFC00  }
0x17b: {  	_ =	swait.ge [sflag:s31], $0x400  }
0x17c: {  	[sflag:s31] =	ssyncset.done $0x0  }
0x17d: {  	[sflag:s31] =	ssyncadd.s32 $0xFFFFFC00  }
0x17e: {  	_ =	swait.ge [sflag:s31], $0x400  }
0x17f: {  	[sflag:s31] =	ssyncset.done $0x0  }
0x180: {  	[sflag:s31] =	ssyncadd.s32 $0xFFFFFC00  }
0x181: {  	_ =	swait.ge [sflag:s31], $0x400  }
0x182: {  	[sflag:s31] =	ssyncset.done $0x0  }
0x183: {  	[sflag:s31] =	ssyncadd.s32 $0xFFFFFC00  }
0x184: {  	_ =	swait.ge [sflag:s31], $0x400  }
0x185: {  	[sflag:s31] =	ssyncset.done $0x0  }
0x186: {  	s8 =	simm.s32 $0x20;
	[sflag:s31] =	ssyncadd.s32 $0xFFFFFC00  }
0x187: {  	[hbm4b:s13+s8] =	stream.strided.scatter [tilespmem:s25], [sflag:$0x2], $0x4000, s26, s8, $0x38;
	[tilespmem:$0xCBF0] =	vst v63  }
0x188: {  	_ = 	snop  }
0x189: {  	[hbm4b:s14+s0] =	stream.strided.scatter [tilespmem:s3], [sflag:$0x2], $0x2000, s26, s0, $0x38;
	[tilespmem:$0xCBF0] =	vst v63  }
0x18a: {  	_ = 	snop  }
0x18b: {  	[hbm4b:s15+s0] =	stream.strided.scatter [tilespmem:s28], [sflag:$0x2], $0x2000, s26, s0, $0x38;
	[tilespmem:$0xCBF0] =	vst v63  }
0x18c: {  	_ = 	snop  }
0x18d: {  	[hbm4b:s16+s0] =	stream.strided.scatter [tilespmem:s30], [sflag:$0x2], $0x2000, s26, s0, $0x38;
	[tilespmem:$0xCBF0] =	vst v63  }
0x18e: {  	_ = 	snop  }
0x18f: {  	[hbm4b:s17+s0] =	stream.strided.scatter [tilespmem:s29], [sflag:$0x2], $0x2000, s26, s0, $0x38;
	[tilespmem:$0xCBF0] =	vst v63  }
0x190: {  	_ =	swait.ge [sflag:s5], $0x4000  }
0x191: {  	[sflag:s5] =	ssyncset.done $0x0  }
0x192: {  	[sflag:s5] =	ssyncadd.s32 $0xFFFFC000  }
0x193: {  	_ =	swait.ge [sflag:s5], $0x2000  }
0x194: {  	[sflag:s5] =	ssyncset.done $0x0  }
0x195: {  	[sflag:s5] =	ssyncadd.s32 $0xFFFFE000  }
0x196: {  	_ =	swait.ge [sflag:s5], $0x2000  }
0x197: {  	[sflag:s5] =	ssyncset.done $0x0  }
0x198: {  	s6 =	sadd.s32 $0x1, s6;
	[sflag:s5] =	ssyncadd.s32 $0xFFFFE000  }
0x199: {  	p0 =	sne.s32 s6, s18;
	_ =	swait.ge [sflag:s5], $0x2000  }
.Ltmp1:
0x19a: {  	[sflag:s5] =	ssyncset.done $0x0;
	(pc) =	sbr.rel @p0 .LBB2_1-.Ltmp1, $4  }
0x19b: {  	[sflag:s5] =	ssyncadd.s32 $0xFFFFE000  }
0x19c: {  	_ =	swait.ge [sflag:s5], $0x2000  }
0x19d: {  	[sflag:s5] =	ssyncset.done $0x0  }
0x19e: {  	[sflag:s5] =	ssyncadd.s32 $0xFFFFE000  }
0x19f: {  	_ =	sfence.sel $0x180000  }
0x1a0: {  	[bflag:$0x0] =	sbarrier.arrive $0xFFFF  }
0x1a1: {  	_ =	strace $0x90000047  }
0x1a2: {  	s0 =	stileid.u32;
	[bflag:$0x2] =	sbarrier.arrive $0xFFFF  }
0x1a3: {  	p0 =	sne.s32 s0, $0x0;
	s0 =	rddreg [dreg:$0x7]  }
0x1a4: {  	s0 =	sadd.s32 @!p0 $0x100000, s0  }
0x1a5: {  	[sflag:s0] =	ssyncadd.tile.s32 @!p0 $0x1;
	_ =	shalt  }
.Lfunc_end2:
_tile_overlayer_lowered:
.L_overlay_start_2:
0x1a6: {  	(tag) =	ssettag $0x2  }
0x1a7: {  	s0 =	rddreg [dreg:$0x0];
	s2 =	stileid.u32  }
0x1a8: {  	s1 =	rddreg [dreg:$0x1];
	p0 =	sne.s32 s2, $0x0  }
0x1a9: {  	s3 =	rddreg [dreg:$0x2];
	[bflag:$0x3] =	sbarrier.arrive $0xFFFF;
	s2 =	simm.s32 @!p0 $0x1C03  }
0x1aa: {  	[timem:s3], [sflag:s2] =	dma.local @!p0 [hbm:s0], s1  }
0x1ab: {  	s0 =	simm.s32 @!p0 $0x3  }
0x1ac: {  	_ =	swait.ge @!p0 [sflag:s0], s1  }
0x1ad: {  	s1 =	ssub.s32 @!p0 $0x0, s1;
	[sflag:s0] =	ssyncset.done @!p0 $0x0  }
0x1ae: {  	[sflag:s0] =	ssyncadd.s32 @!p0 s1  }
0x1af: {  	[bflag:$0x3] =	sbarrier.arrive $0xFFFF  }
0x1b0: {  	_ =	shalt  }

</sc_bundles>
